<compile_context>
chip_gen: v7x
topology: tpu7x:2x2x1
jax: 0.10.2.dev20260603
libtpu: 0.0.44.dev20260713+nightly
codegen_flags: <defaults>
</compile_context>

<pallas_src>
import jax
import jax.numpy as jnp
from jax import lax
from jax.experimental import pallas as pl
from jax.experimental.pallas import tpu as pltpu
from jax.experimental.pallas import tpu_sc as plsc

D_MODEL = 256
TABLE_ROWS = 129
SEQ_LEN = 512

T_LEN = 1016
N_COPIES = 8
REP_LEN = 440
MID_LO, MID_HI = 440, 576
MID_LEN = MID_HI - MID_LO
MID_SPLIT = 64
PARTS_MIDS = 2 * REP_LEN
PARTS_LEN = 2048
ROWS_PER_WORKER = SEQ_LEN // 32


def _build_parts(tbl_ref, parts_ref):
    t = tbl_ref[...]
    t0 = t[0:1]
    t128 = t[TABLE_ROWS - 1:TABLE_ROWS]
    pieces = [
        jnp.broadcast_to(t0, (REP_LEN, D_MODEL)),
        jnp.broadcast_to(t128, (REP_LEN, D_MODEL)),
    ]
    for r in range(1, N_COPIES + 1):
        if 8 - r:
            pieces.append(jnp.broadcast_to(t0, (8 - r, D_MODEL)))
        pieces.append(t)
        if r - 1:
            pieces.append(jnp.broadcast_to(t128, (r - 1, D_MODEL)))
    used = PARTS_MIDS + N_COPIES * MID_LEN
    pieces.append(jnp.broadcast_to(t128, (PARTS_LEN - used, D_MODEL)))
    parts_ref[...] = jnp.concatenate(pieces, axis=0)


def _sc_body(parts_hbm, out_hbm, t_all, sem):
    c = lax.axis_index("c")
    s = lax.axis_index("s")

    @pl.when(s < N_COPIES)
    def _():
        base = pl.multiple_of(s * T_LEN, 8)
        cp0 = pltpu.async_copy(parts_hbm.at[pl.ds(0, REP_LEN)],
                               t_all.at[pl.ds(base, REP_LEN)], sem)
        src_mid = pl.multiple_of(PARTS_MIDS + s * MID_LEN, 8)
        dst_mid = pl.multiple_of(s * T_LEN + MID_LO, 8)
        cp1 = pltpu.async_copy(parts_hbm.at[pl.ds(src_mid, MID_SPLIT)],
                               t_all.at[pl.ds(dst_mid, MID_SPLIT)], sem)
        cp0.wait()
        cp1.wait()

    @pl.when(s >= N_COPIES)
    def _():
        s8 = s - N_COPIES
        src_mid = pl.multiple_of(PARTS_MIDS + s8 * MID_LEN + MID_SPLIT, 8)
        dst_mid = pl.multiple_of(s8 * T_LEN + MID_LO + MID_SPLIT, 8)
        cp0 = pltpu.async_copy(
            parts_hbm.at[pl.ds(src_mid, MID_LEN - MID_SPLIT)],
            t_all.at[pl.ds(dst_mid, MID_LEN - MID_SPLIT)], sem)
        dst = pl.multiple_of(s8 * T_LEN + MID_HI, 8)
        cp1 = pltpu.async_copy(parts_hbm.at[pl.ds(REP_LEN, REP_LEN)],
                               t_all.at[pl.ds(dst, REP_LEN)], sem)
        cp0.wait()
        cp1.wait()

    plsc.subcore_barrier()

    w = c * 16 + s
    copies = []
    for k in range(ROWS_PER_WORKER):
        i = 16 * w + k
        r = N_COPIES - (k % 8)
        a0 = 504 - 16 * w - 8 * (k // 8)
        off = pl.multiple_of((r - 1) * T_LEN + a0, 8)
        copies.append(
            pltpu.async_copy(t_all.at[pl.ds(off, SEQ_LEN)],
                             out_hbm.at[i], sem))
    for cp in copies:
        cp.wait()


def kernel(x, embeddings_table):
    table = embeddings_table.astype(jnp.float32)
    parts = pl.pallas_call(
        _build_parts,
        out_shape=jax.ShapeDtypeStruct((PARTS_LEN, D_MODEL), jnp.float32),
    )(table)

    mesh = plsc.VectorSubcoreMesh(core_axis_name="c", subcore_axis_name="s")
    run = pl.kernel(
        _sc_body,
        out_type=jax.ShapeDtypeStruct((SEQ_LEN, SEQ_LEN, D_MODEL), jnp.float32),
        mesh=mesh,
        scratch_types=[
            pltpu.VMEM_SHARED((N_COPIES * T_LEN, D_MODEL), jnp.float32),
            pltpu.SemaphoreType.DMA,
        ],
    )
    out = run(parts)
    return out.astype(x.dtype)

# --- scband reference (transcript-rebuilt; emitter-appended) ---
"""Pipeline reference for scband-position-relative-symbol-retriever-legacy-55001351192721 (READ-ONLY COPY).

The authoritative reference and input builder live on the scoring server;
editing this copy changes nothing except your own understanding.
"""

import jax, jax.numpy as jnp
import numpy as np

D_MODEL = 256
MAX_REL_POS = 64

def setup_inputs(seed: int = 0) -> dict:
    key = jax.random.key(seed)
    k1, k2 = jax.random.split(key)
    x = jax.random.normal(k1, (4, 512, D_MODEL), dtype=jnp.float32)
    # Learned relative-position embedding table: (2*max_rel_pos + 1, d_model)
    embeddings_table = jax.random.normal(k2, (2 * MAX_REL_POS + 1, D_MODEL), dtype=jnp.float32) * 0.02
    return {"x": x, "embeddings_table": embeddings_table}

def reference(x, embeddings_table):
    # PositionRelativeSymbolRetrieverLegacy.forward: only uses x.shape[1] (length)
    # and returns RelativePositionalEncoding(length): a [L, L, d_model] tensor of
    # relative-position embeddings gathered from the table with clipped distances.
    length = x.shape[1]
    range_vec = jnp.arange(length)
    distance_mat = range_vec[None, :] - range_vec[:, None]  # [L, L]
    distance_clipped = jnp.clip(distance_mat, -MAX_REL_POS, MAX_REL_POS)
    final_mat = distance_clipped + MAX_REL_POS  # indices in [0, 2*max_rel_pos]
    embeddings = jnp.take(embeddings_table, final_mat, axis=0)  # [L, L, d_model]
    return embeddings.astype(x.dtype)

if __name__ == "__main__":
    import jax
    _d = setup_inputs()
    print(jax.jit(kernel)(*tuple(_d.values())))

</pallas_src>

<mosaic_0001>
#map = affine_map<(d0, d1) -> (0, 0)>
#map1 = affine_map<(d0, d1) -> (0, 0, 0)>
module attributes {stable_mosaic.version = 14 : i64} {
  func.func @_sc_body(%arg0: i32, %arg1: i32, %arg2: memref<2048x256xf32, #tpu.memory_space<hbm>>, %arg3: memref<512x512x256xf32, #tpu.memory_space<hbm>>, %arg4: memref<8128x256xf32, #tpu.memory_space<vmem_shared>>, %arg5: memref<!tpu.dma_semaphore, #tpu.memory_space<semaphore_mem>>) attributes {dimension_semantics = [#tpu.dimension_semantics<core_parallel>, #tpu.dimension_semantics<subcore_parallel>], iteration_bounds = array<i64: 2, 16>, scalar_prefetch = 0 : i64, scratch_operands = 2 : i64, tpu.core_type = #tpu.core_type<sc_vector_subcore>, window_params = [{transform_indices = #map}, {transform_indices = #map1}]} {
    %lt3A = arith.constant 8 : i32
    %lt3A_0 = arith.cmpi slt, %arg1, %lt3A : i32
    %convert_element_type3A = arith.extui %lt3A_0 : i1 to i32
    %cond3A = arith.constant 0 : i32
    %cond3A_1 = arith.cmpi ne, %convert_element_type3A, %cond3A : i32
    scf.if %cond3A_1 {
      %mul3A_403 = arith.constant 1016 : i32
      %mul3A_404 = arith.muli %arg1, %mul3A_403 : i32
      %multiple_of3A_405 = tpu.assume_multiple %mul3A_404, 8 : i32
      %dma_start3A_406 = arith.constant 0 : i32
      %dma_start3A_407 = tpu.memref_slice %arg4[%multiple_of3A_405, %dma_start3A_406] : memref<8128x256xf32, #tpu.memory_space<vmem_shared>> -> memref<440x256xf32, #tpu.memory_space<vmem_shared>>
      %dma_start3A_408 = arith.constant 0 : i32
      %dma_start3A_409 = arith.constant 0 : i32
      %dma_start3A_410 = tpu.memref_slice %arg2[%dma_start3A_408, %dma_start3A_409] : memref<2048x256xf32, #tpu.memory_space<hbm>> -> memref<440x256xf32, #tpu.memory_space<hbm>>
      tpu.enqueue_dma source(%dma_start3A_410 : memref<440x256xf32, #tpu.memory_space<hbm>>) target(%dma_start3A_407 : memref<440x256xf32, #tpu.memory_space<vmem_shared>>) target_semaphore(%arg5 : memref<!tpu.dma_semaphore, #tpu.memory_space<semaphore_mem>>)
      %mul3A_411 = arith.constant 136 : i32
      %mul3A_412 = arith.muli %arg1, %mul3A_411 : i32
      %add3A_413 = arith.constant 880 : i32
      %add3A_414 = arith.addi %add3A_413, %mul3A_412 : i32
      %multiple_of3A_415 = tpu.assume_multiple %add3A_414, 8 : i32
      %mul3A_416 = arith.constant 1016 : i32
      %mul3A_417 = arith.muli %arg1, %mul3A_416 : i32
      %add3A_418 = arith.constant 440 : i32
      %add3A_419 = arith.addi %mul3A_417, %add3A_418 : i32
      %multiple_of3A_420 = tpu.assume_multiple %add3A_419, 8 : i32
      %dma_start3A_421 = arith.constant 0 : i32
      %dma_start3A_422 = tpu.memref_slice %arg4[%multiple_of3A_420, %dma_start3A_421] : memref<8128x256xf32, #tpu.memory_space<vmem_shared>> -> memref<64x256xf32, #tpu.memory_space<vmem_shared>>
      %dma_start3A_423 = arith.constant 0 : i32
      %dma_start3A_424 = tpu.memref_slice %arg2[%multiple_of3A_415, %dma_start3A_423] : memref<2048x256xf32, #tpu.memory_space<hbm>> -> memref<64x256xf32, #tpu.memory_space<hbm>>
      tpu.enqueue_dma source(%dma_start3A_424 : memref<64x256xf32, #tpu.memory_space<hbm>>) target(%dma_start3A_422 : memref<64x256xf32, #tpu.memory_space<vmem_shared>>) target_semaphore(%arg5 : memref<!tpu.dma_semaphore, #tpu.memory_space<semaphore_mem>>)
      %dma_wait3A_425 = arith.constant 0 : i32
      %dma_wait3A_426 = tpu.memref_slice %arg4[%multiple_of3A_405, %dma_wait3A_425] : memref<8128x256xf32, #tpu.memory_space<vmem_shared>> -> memref<440x256xf32, #tpu.memory_space<vmem_shared>>
      %dma_wait3A_427 = arith.constant 0 : i32
      %dma_wait3A_428 = arith.constant 0 : i32
      %dma_wait3A_429 = tpu.memref_slice %arg2[%dma_wait3A_427, %dma_wait3A_428] : memref<2048x256xf32, #tpu.memory_space<hbm>> -> memref<440x256xf32, #tpu.memory_space<hbm>>
      tpu.wait_dma2 semaphore(%arg5 : memref<!tpu.dma_semaphore, #tpu.memory_space<semaphore_mem>>) src(%dma_wait3A_429 : memref<440x256xf32, #tpu.memory_space<hbm>>) dst(%dma_wait3A_426 : memref<440x256xf32, #tpu.memory_space<vmem_shared>>)
      %dma_wait3A_430 = arith.constant 0 : i32
      %dma_wait3A_431 = tpu.memref_slice %arg4[%multiple_of3A_420, %dma_wait3A_430] : memref<8128x256xf32, #tpu.memory_space<vmem_shared>> -> memref<64x256xf32, #tpu.memory_space<vmem_shared>>
      %dma_wait3A_432 = arith.constant 0 : i32
      %dma_wait3A_433 = tpu.memref_slice %arg2[%multiple_of3A_415, %dma_wait3A_432] : memref<2048x256xf32, #tpu.memory_space<hbm>> -> memref<64x256xf32, #tpu.memory_space<hbm>>
      tpu.wait_dma2 semaphore(%arg5 : memref<!tpu.dma_semaphore, #tpu.memory_space<semaphore_mem>>) src(%dma_wait3A_433 : memref<64x256xf32, #tpu.memory_space<hbm>>) dst(%dma_wait3A_431 : memref<64x256xf32, #tpu.memory_space<vmem_shared>>)
    } else {
    }
    %ge3A = arith.constant 8 : i32
    %ge3A_2 = arith.cmpi sge, %arg1, %ge3A : i32
    %convert_element_type3A_3 = arith.extui %ge3A_2 : i1 to i32
    %cond3A_4 = arith.constant 0 : i32
    %cond3A_5 = arith.cmpi ne, %convert_element_type3A_3, %cond3A_4 : i32
    scf.if %cond3A_5 {
      %sub3A_403 = arith.constant 8 : i32
      %sub3A_404 = arith.subi %arg1, %sub3A_403 : i32
      %mul3A_405 = arith.constant 136 : i32
      %mul3A_406 = arith.muli %sub3A_404, %mul3A_405 : i32
      %add3A_407 = arith.constant 880 : i32
      %add3A_408 = arith.addi %add3A_407, %mul3A_406 : i32
      %add3A_409 = arith.constant 64 : i32
      %add3A_410 = arith.addi %add3A_408, %add3A_409 : i32
      %multiple_of3A_411 = tpu.assume_multiple %add3A_410, 8 : i32
      %mul3A_412 = arith.constant 1016 : i32
      %mul3A_413 = arith.muli %sub3A_404, %mul3A_412 : i32
      %add3A_414 = arith.constant 440 : i32
      %add3A_415 = arith.addi %mul3A_413, %add3A_414 : i32
      %add3A_416 = arith.constant 64 : i32
      %add3A_417 = arith.addi %add3A_415, %add3A_416 : i32
      %multiple_of3A_418 = tpu.assume_multiple %add3A_417, 8 : i32
      %dma_start3A_419 = arith.constant 0 : i32
      %dma_start3A_420 = tpu.memref_slice %arg4[%multiple_of3A_418, %dma_start3A_419] : memref<8128x256xf32, #tpu.memory_space<vmem_shared>> -> memref<72x256xf32, #tpu.memory_space<vmem_shared>>
      %dma_start3A_421 = arith.constant 0 : i32
      %dma_start3A_422 = tpu.memref_slice %arg2[%multiple_of3A_411, %dma_start3A_421] : memref<2048x256xf32, #tpu.memory_space<hbm>> -> memref<72x256xf32, #tpu.memory_space<hbm>>
      tpu.enqueue_dma source(%dma_start3A_422 : memref<72x256xf32, #tpu.memory_space<hbm>>) target(%dma_start3A_420 : memref<72x256xf32, #tpu.memory_space<vmem_shared>>) target_semaphore(%arg5 : memref<!tpu.dma_semaphore, #tpu.memory_space<semaphore_mem>>)
      %mul3A_423 = arith.constant 1016 : i32
      %mul3A_424 = arith.muli %sub3A_404, %mul3A_423 : i32
      %add3A_425 = arith.constant 576 : i32
      %add3A_426 = arith.addi %mul3A_424, %add3A_425 : i32
      %multiple_of3A_427 = tpu.assume_multiple %add3A_426, 8 : i32
      %dma_start3A_428 = arith.constant 0 : i32
      %dma_start3A_429 = tpu.memref_slice %arg4[%multiple_of3A_427, %dma_start3A_428] : memref<8128x256xf32, #tpu.memory_space<vmem_shared>> -> memref<440x256xf32, #tpu.memory_space<vmem_shared>>
      %dma_start3A_430 = arith.constant 440 : i32
      %dma_start3A_431 = arith.constant 0 : i32
      %dma_start3A_432 = tpu.memref_slice %arg2[%dma_start3A_430, %dma_start3A_431] : memref<2048x256xf32, #tpu.memory_space<hbm>> -> memref<440x256xf32, #tpu.memory_space<hbm>>
      tpu.enqueue_dma source(%dma_start3A_432 : memref<440x256xf32, #tpu.memory_space<hbm>>) target(%dma_start3A_429 : memref<440x256xf32, #tpu.memory_space<vmem_shared>>) target_semaphore(%arg5 : memref<!tpu.dma_semaphore, #tpu.memory_space<semaphore_mem>>)
      %dma_wait3A_433 = arith.constant 0 : i32
      %dma_wait3A_434 = tpu.memref_slice %arg4[%multiple_of3A_418, %dma_wait3A_433] : memref<8128x256xf32, #tpu.memory_space<vmem_shared>> -> memref<72x256xf32, #tpu.memory_space<vmem_shared>>
      %dma_wait3A_435 = arith.constant 0 : i32
      %dma_wait3A_436 = tpu.memref_slice %arg2[%multiple_of3A_411, %dma_wait3A_435] : memref<2048x256xf32, #tpu.memory_space<hbm>> -> memref<72x256xf32, #tpu.memory_space<hbm>>
      tpu.wait_dma2 semaphore(%arg5 : memref<!tpu.dma_semaphore, #tpu.memory_space<semaphore_mem>>) src(%dma_wait3A_436 : memref<72x256xf32, #tpu.memory_space<hbm>>) dst(%dma_wait3A_434 : memref<72x256xf32, #tpu.memory_space<vmem_shared>>)
      %dma_wait3A_437 = arith.constant 0 : i32
      %dma_wait3A_438 = tpu.memref_slice %arg4[%multiple_of3A_427, %dma_wait3A_437] : memref<8128x256xf32, #tpu.memory_space<vmem_shared>> -> memref<440x256xf32, #tpu.memory_space<vmem_shared>>
      %dma_wait3A_439 = arith.constant 440 : i32
      %dma_wait3A_440 = arith.constant 0 : i32
      %dma_wait3A_441 = tpu.memref_slice %arg2[%dma_wait3A_439, %dma_wait3A_440] : memref<2048x256xf32, #tpu.memory_space<hbm>> -> memref<440x256xf32, #tpu.memory_space<hbm>>
      tpu.wait_dma2 semaphore(%arg5 : memref<!tpu.dma_semaphore, #tpu.memory_space<semaphore_mem>>) src(%dma_wait3A_441 : memref<440x256xf32, #tpu.memory_space<hbm>>) dst(%dma_wait3A_438 : memref<440x256xf32, #tpu.memory_space<vmem_shared>>)
    } else {
    }
    %barrier3A = arith.constant 0 : index
    tpu.barrier barrier_id(%barrier3A)
    %mul3A = arith.constant 16 : i32
    %mul3A_6 = arith.muli %arg0, %mul3A : i32
    %add3A = arith.addi %mul3A_6, %arg1 : i32
    %mul3A_7 = arith.constant 16 : i32
    %mul3A_8 = arith.muli %mul3A_7, %add3A : i32
    %add3A_9 = arith.constant 0 : i32
    %add3A_10 = arith.addi %mul3A_8, %add3A_9 : i32
    %mul3A_11 = arith.constant 16 : i32
    %mul3A_12 = arith.muli %mul3A_11, %add3A : i32
    %sub3A = arith.constant 504 : i32
    %sub3A_13 = arith.subi %sub3A, %mul3A_12 : i32
    %sub3A_14 = arith.constant 0 : i32
    %sub3A_15 = arith.subi %sub3A_13, %sub3A_14 : i32
    %add3A_16 = arith.constant 7112 : i32
    %add3A_17 = arith.addi %add3A_16, %sub3A_15 : i32
    %multiple_of3A = tpu.assume_multiple %add3A_17, 8 : i32
    %dma_start3A = arith.constant 0 : i32
    %dma_start3A_18 = arith.constant 0 : i32
    %dma_start3A_19 = tpu.memref_slice %arg3[%add3A_10, %dma_start3A, %dma_start3A_18] : memref<512x512x256xf32, #tpu.memory_space<hbm>> -> memref<1x512x256xf32, #tpu.memory_space<hbm>>
    %dma_start3A_20 = tpu.memref_squeeze %dma_start3A_19 : memref<1x512x256xf32, #tpu.memory_space<hbm>> -> memref<512x256xf32, #tpu.memory_space<hbm>>
    %dma_start3A_21 = arith.constant 0 : i32
    %dma_start3A_22 = tpu.memref_slice %arg4[%multiple_of3A, %dma_start3A_21] : memref<8128x256xf32, #tpu.memory_space<vmem_shared>> -> memref<512x256xf32, #tpu.memory_space<vmem_shared>>
    tpu.enqueue_dma source(%dma_start3A_22 : memref<512x256xf32, #tpu.memory_space<vmem_shared>>) target(%dma_start3A_20 : memref<512x256xf32, #tpu.memory_space<hbm>>) target_semaphore(%arg5 : memref<!tpu.dma_semaphore, #tpu.memory_space<semaphore_mem>>)
    %mul3A_23 = arith.constant 16 : i32
    %mul3A_24 = arith.muli %mul3A_23, %add3A : i32
    %add3A_25 = arith.constant 1 : i32
    %add3A_26 = arith.addi %mul3A_24, %add3A_25 : i32
    %mul3A_27 = arith.constant 16 : i32
    %mul3A_28 = arith.muli %mul3A_27, %add3A : i32
    %sub3A_29 = arith.constant 504 : i32
    %sub3A_30 = arith.subi %sub3A_29, %mul3A_28 : i32
    %sub3A_31 = arith.constant 0 : i32
    %sub3A_32 = arith.subi %sub3A_30, %sub3A_31 : i32
    %add3A_33 = arith.constant 6096 : i32
    %add3A_34 = arith.addi %add3A_33, %sub3A_32 : i32
    %multiple_of3A_35 = tpu.assume_multiple %add3A_34, 8 : i32
    %dma_start3A_36 = arith.constant 0 : i32
    %dma_start3A_37 = arith.constant 0 : i32
    %dma_start3A_38 = tpu.memref_slice %arg3[%add3A_26, %dma_start3A_36, %dma_start3A_37] : memref<512x512x256xf32, #tpu.memory_space<hbm>> -> memref<1x512x256xf32, #tpu.memory_space<hbm>>
    %dma_start3A_39 = tpu.memref_squeeze %dma_start3A_38 : memref<1x512x256xf32, #tpu.memory_space<hbm>> -> memref<512x256xf32, #tpu.memory_space<hbm>>
    %dma_start3A_40 = arith.constant 0 : i32
    %dma_start3A_41 = tpu.memref_slice %arg4[%multiple_of3A_35, %dma_start3A_40] : memref<8128x256xf32, #tpu.memory_space<vmem_shared>> -> memref<512x256xf32, #tpu.memory_space<vmem_shared>>
    tpu.enqueue_dma source(%dma_start3A_41 : memref<512x256xf32, #tpu.memory_space<vmem_shared>>) target(%dma_start3A_39 : memref<512x256xf32, #tpu.memory_space<hbm>>) target_semaphore(%arg5 : memref<!tpu.dma_semaphore, #tpu.memory_space<semaphore_mem>>)
    %mul3A_42 = arith.constant 16 : i32
    %mul3A_43 = arith.muli %mul3A_42, %add3A : i32
    %add3A_44 = arith.constant 2 : i32
    %add3A_45 = arith.addi %mul3A_43, %add3A_44 : i32
    %mul3A_46 = arith.constant 16 : i32
    %mul3A_47 = arith.muli %mul3A_46, %add3A : i32
    %sub3A_48 = arith.constant 504 : i32
    %sub3A_49 = arith.subi %sub3A_48, %mul3A_47 : i32
    %sub3A_50 = arith.constant 0 : i32
    %sub3A_51 = arith.subi %sub3A_49, %sub3A_50 : i32
    %add3A_52 = arith.constant 5080 : i32
    %add3A_53 = arith.addi %add3A_52, %sub3A_51 : i32
    %multiple_of3A_54 = tpu.assume_multiple %add3A_53, 8 : i32
    %dma_start3A_55 = arith.constant 0 : i32
    %dma_start3A_56 = arith.constant 0 : i32
    %dma_start3A_57 = tpu.memref_slice %arg3[%add3A_45, %dma_start3A_55, %dma_start3A_56] : memref<512x512x256xf32, #tpu.memory_space<hbm>> -> memref<1x512x256xf32, #tpu.memory_space<hbm>>
    %dma_start3A_58 = tpu.memref_squeeze %dma_start3A_57 : memref<1x512x256xf32, #tpu.memory_space<hbm>> -> memref<512x256xf32, #tpu.memory_space<hbm>>
    %dma_start3A_59 = arith.constant 0 : i32
    %dma_start3A_60 = tpu.memref_slice %arg4[%multiple_of3A_54, %dma_start3A_59] : memref<8128x256xf32, #tpu.memory_space<vmem_shared>> -> memref<512x256xf32, #tpu.memory_space<vmem_shared>>
    tpu.enqueue_dma source(%dma_start3A_60 : memref<512x256xf32, #tpu.memory_space<vmem_shared>>) target(%dma_start3A_58 : memref<512x256xf32, #tpu.memory_space<hbm>>) target_semaphore(%arg5 : memref<!tpu.dma_semaphore, #tpu.memory_space<semaphore_mem>>)
    %mul3A_61 = arith.constant 16 : i32
    %mul3A_62 = arith.muli %mul3A_61, %add3A : i32
    %add3A_63 = arith.constant 3 : i32
    %add3A_64 = arith.addi %mul3A_62, %add3A_63 : i32
    %mul3A_65 = arith.constant 16 : i32
    %mul3A_66 = arith.muli %mul3A_65, %add3A : i32
    %sub3A_67 = arith.constant 504 : i32
    %sub3A_68 = arith.subi %sub3A_67, %mul3A_66 : i32
    %sub3A_69 = arith.constant 0 : i32
    %sub3A_70 = arith.subi %sub3A_68, %sub3A_69 : i32
    %add3A_71 = arith.constant 4064 : i32
    %add3A_72 = arith.addi %add3A_71, %sub3A_70 : i32
    %multiple_of3A_73 = tpu.assume_multiple %add3A_72, 8 : i32
    %dma_start3A_74 = arith.constant 0 : i32
    %dma_start3A_75 = arith.constant 0 : i32
    %dma_start3A_76 = tpu.memref_slice %arg3[%add3A_64, %dma_start3A_74, %dma_start3A_75] : memref<512x512x256xf32, #tpu.memory_space<hbm>> -> memref<1x512x256xf32, #tpu.memory_space<hbm>>
    %dma_start3A_77 = tpu.memref_squeeze %dma_start3A_76 : memref<1x512x256xf32, #tpu.memory_space<hbm>> -> memref<512x256xf32, #tpu.memory_space<hbm>>
    %dma_start3A_78 = arith.constant 0 : i32
    %dma_start3A_79 = tpu.memref_slice %arg4[%multiple_of3A_73, %dma_start3A_78] : memref<8128x256xf32, #tpu.memory_space<vmem_shared>> -> memref<512x256xf32, #tpu.memory_space<vmem_shared>>
    tpu.enqueue_dma source(%dma_start3A_79 : memref<512x256xf32, #tpu.memory_space<vmem_shared>>) target(%dma_start3A_77 : memref<512x256xf32, #tpu.memory_space<hbm>>) target_semaphore(%arg5 : memref<!tpu.dma_semaphore, #tpu.memory_space<semaphore_mem>>)
    %mul3A_80 = arith.constant 16 : i32
    %mul3A_81 = arith.muli %mul3A_80, %add3A : i32
    %add3A_82 = arith.constant 4 : i32
    %add3A_83 = arith.addi %mul3A_81, %add3A_82 : i32
    %mul3A_84 = arith.constant 16 : i32
    %mul3A_85 = arith.muli %mul3A_84, %add3A : i32
    %sub3A_86 = arith.constant 504 : i32
    %sub3A_87 = arith.subi %sub3A_86, %mul3A_85 : i32
    %sub3A_88 = arith.constant 0 : i32
    %sub3A_89 = arith.subi %sub3A_87, %sub3A_88 : i32
    %add3A_90 = arith.constant 3048 : i32
    %add3A_91 = arith.addi %add3A_90, %sub3A_89 : i32
    %multiple_of3A_92 = tpu.assume_multiple %add3A_91, 8 : i32
    %dma_start3A_93 = arith.constant 0 : i32
    %dma_start3A_94 = arith.constant 0 : i32
    %dma_start3A_95 = tpu.memref_slice %arg3[%add3A_83, %dma_start3A_93, %dma_start3A_94] : memref<512x512x256xf32, #tpu.memory_space<hbm>> -> memref<1x512x256xf32, #tpu.memory_space<hbm>>
    %dma_start3A_96 = tpu.memref_squeeze %dma_start3A_95 : memref<1x512x256xf32, #tpu.memory_space<hbm>> -> memref<512x256xf32, #tpu.memory_space<hbm>>
    %dma_start3A_97 = arith.constant 0 : i32
    %dma_start3A_98 = tpu.memref_slice %arg4[%multiple_of3A_92, %dma_start3A_97] : memref<8128x256xf32, #tpu.memory_space<vmem_shared>> -> memref<512x256xf32, #tpu.memory_space<vmem_shared>>
    tpu.enqueue_dma source(%dma_start3A_98 : memref<512x256xf32, #tpu.memory_space<vmem_shared>>) target(%dma_start3A_96 : memref<512x256xf32, #tpu.memory_space<hbm>>) target_semaphore(%arg5 : memref<!tpu.dma_semaphore, #tpu.memory_space<semaphore_mem>>)
    %mul3A_99 = arith.constant 16 : i32
    %mul3A_100 = arith.muli %mul3A_99, %add3A : i32
    %add3A_101 = arith.constant 5 : i32
    %add3A_102 = arith.addi %mul3A_100, %add3A_101 : i32
    %mul3A_103 = arith.constant 16 : i32
    %mul3A_104 = arith.muli %mul3A_103, %add3A : i32
    %sub3A_105 = arith.constant 504 : i32
    %sub3A_106 = arith.subi %sub3A_105, %mul3A_104 : i32
    %sub3A_107 = arith.constant 0 : i32
    %sub3A_108 = arith.subi %sub3A_106, %sub3A_107 : i32
    %add3A_109 = arith.constant 2032 : i32
    %add3A_110 = arith.addi %add3A_109, %sub3A_108 : i32
    %multiple_of3A_111 = tpu.assume_multiple %add3A_110, 8 : i32
    %dma_start3A_112 = arith.constant 0 : i32
    %dma_start3A_113 = arith.constant 0 : i32
    %dma_start3A_114 = tpu.memref_slice %arg3[%add3A_102, %dma_start3A_112, %dma_start3A_113] : memref<512x512x256xf32, #tpu.memory_space<hbm>> -> memref<1x512x256xf32, #tpu.memory_space<hbm>>
    %dma_start3A_115 = tpu.memref_squeeze %dma_start3A_114 : memref<1x512x256xf32, #tpu.memory_space<hbm>> -> memref<512x256xf32, #tpu.memory_space<hbm>>
    %dma_start3A_116 = arith.constant 0 : i32
    %dma_start3A_117 = tpu.memref_slice %arg4[%multiple_of3A_111, %dma_start3A_116] : memref<8128x256xf32, #tpu.memory_space<vmem_shared>> -> memref<512x256xf32, #tpu.memory_space<vmem_shared>>
    tpu.enqueue_dma source(%dma_start3A_117 : memref<512x256xf32, #tpu.memory_space<vmem_shared>>) target(%dma_start3A_115 : memref<512x256xf32, #tpu.memory_space<hbm>>) target_semaphore(%arg5 : memref<!tpu.dma_semaphore, #tpu.memory_space<semaphore_mem>>)
    %mul3A_118 = arith.constant 16 : i32
    %mul3A_119 = arith.muli %mul3A_118, %add3A : i32
    %add3A_120 = arith.constant 6 : i32
    %add3A_121 = arith.addi %mul3A_119, %add3A_120 : i32
    %mul3A_122 = arith.constant 16 : i32
    %mul3A_123 = arith.muli %mul3A_122, %add3A : i32
    %sub3A_124 = arith.constant 504 : i32
    %sub3A_125 = arith.subi %sub3A_124, %mul3A_123 : i32
    %sub3A_126 = arith.constant 0 : i32
    %sub3A_127 = arith.subi %sub3A_125, %sub3A_126 : i32
    %add3A_128 = arith.constant 1016 : i32
    %add3A_129 = arith.addi %add3A_128, %sub3A_127 : i32
    %multiple_of3A_130 = tpu.assume_multiple %add3A_129, 8 : i32
    %dma_start3A_131 = arith.constant 0 : i32
    %dma_start3A_132 = arith.constant 0 : i32
    %dma_start3A_133 = tpu.memref_slice %arg3[%add3A_121, %dma_start3A_131, %dma_start3A_132] : memref<512x512x256xf32, #tpu.memory_space<hbm>> -> memref<1x512x256xf32, #tpu.memory_space<hbm>>
    %dma_start3A_134 = tpu.memref_squeeze %dma_start3A_133 : memref<1x512x256xf32, #tpu.memory_space<hbm>> -> memref<512x256xf32, #tpu.memory_space<hbm>>
    %dma_start3A_135 = arith.constant 0 : i32
    %dma_start3A_136 = tpu.memref_slice %arg4[%multiple_of3A_130, %dma_start3A_135] : memref<8128x256xf32, #tpu.memory_space<vmem_shared>> -> memref<512x256xf32, #tpu.memory_space<vmem_shared>>
    tpu.enqueue_dma source(%dma_start3A_136 : memref<512x256xf32, #tpu.memory_space<vmem_shared>>) target(%dma_start3A_134 : memref<512x256xf32, #tpu.memory_space<hbm>>) target_semaphore(%arg5 : memref<!tpu.dma_semaphore, #tpu.memory_space<semaphore_mem>>)
    %mul3A_137 = arith.constant 16 : i32
    %mul3A_138 = arith.muli %mul3A_137, %add3A : i32
    %add3A_139 = arith.constant 7 : i32
    %add3A_140 = arith.addi %mul3A_138, %add3A_139 : i32
    %mul3A_141 = arith.constant 16 : i32
    %mul3A_142 = arith.muli %mul3A_141, %add3A : i32
    %sub3A_143 = arith.constant 504 : i32
    %sub3A_144 = arith.subi %sub3A_143, %mul3A_142 : i32
    %sub3A_145 = arith.constant 0 : i32
    %sub3A_146 = arith.subi %sub3A_144, %sub3A_145 : i32
    %add3A_147 = arith.constant 0 : i32
    %add3A_148 = arith.addi %add3A_147, %sub3A_146 : i32
    %multiple_of3A_149 = tpu.assume_multiple %add3A_148, 8 : i32
    %dma_start3A_150 = arith.constant 0 : i32
    %dma_start3A_151 = arith.constant 0 : i32
    %dma_start3A_152 = tpu.memref_slice %arg3[%add3A_140, %dma_start3A_150, %dma_start3A_151] : memref<512x512x256xf32, #tpu.memory_space<hbm>> -> memref<1x512x256xf32, #tpu.memory_space<hbm>>
    %dma_start3A_153 = tpu.memref_squeeze %dma_start3A_152 : memref<1x512x256xf32, #tpu.memory_space<hbm>> -> memref<512x256xf32, #tpu.memory_space<hbm>>
    %dma_start3A_154 = arith.constant 0 : i32
    %dma_start3A_155 = tpu.memref_slice %arg4[%multiple_of3A_149, %dma_start3A_154] : memref<8128x256xf32, #tpu.memory_space<vmem_shared>> -> memref<512x256xf32, #tpu.memory_space<vmem_shared>>
    tpu.enqueue_dma source(%dma_start3A_155 : memref<512x256xf32, #tpu.memory_space<vmem_shared>>) target(%dma_start3A_153 : memref<512x256xf32, #tpu.memory_space<hbm>>) target_semaphore(%arg5 : memref<!tpu.dma_semaphore, #tpu.memory_space<semaphore_mem>>)
    %mul3A_156 = arith.constant 16 : i32
    %mul3A_157 = arith.muli %mul3A_156, %add3A : i32
    %add3A_158 = arith.constant 8 : i32
    %add3A_159 = arith.addi %mul3A_157, %add3A_158 : i32
    %mul3A_160 = arith.constant 16 : i32
    %mul3A_161 = arith.muli %mul3A_160, %add3A : i32
    %sub3A_162 = arith.constant 504 : i32
    %sub3A_163 = arith.subi %sub3A_162, %mul3A_161 : i32
    %sub3A_164 = arith.constant 8 : i32
    %sub3A_165 = arith.subi %sub3A_163, %sub3A_164 : i32
    %add3A_166 = arith.constant 7112 : i32
    %add3A_167 = arith.addi %add3A_166, %sub3A_165 : i32
    %multiple_of3A_168 = tpu.assume_multiple %add3A_167, 8 : i32
    %dma_start3A_169 = arith.constant 0 : i32
    %dma_start3A_170 = arith.constant 0 : i32
    %dma_start3A_171 = tpu.memref_slice %arg3[%add3A_159, %dma_start3A_169, %dma_start3A_170] : memref<512x512x256xf32, #tpu.memory_space<hbm>> -> memref<1x512x256xf32, #tpu.memory_space<hbm>>
    %dma_start3A_172 = tpu.memref_squeeze %dma_start3A_171 : memref<1x512x256xf32, #tpu.memory_space<hbm>> -> memref<512x256xf32, #tpu.memory_space<hbm>>
    %dma_start3A_173 = arith.constant 0 : i32
    %dma_start3A_174 = tpu.memref_slice %arg4[%multiple_of3A_168, %dma_start3A_173] : memref<8128x256xf32, #tpu.memory_space<vmem_shared>> -> memref<512x256xf32, #tpu.memory_space<vmem_shared>>
    tpu.enqueue_dma source(%dma_start3A_174 : memref<512x256xf32, #tpu.memory_space<vmem_shared>>) target(%dma_start3A_172 : memref<512x256xf32, #tpu.memory_space<hbm>>) target_semaphore(%arg5 : memref<!tpu.dma_semaphore, #tpu.memory_space<semaphore_mem>>)
    %mul3A_175 = arith.constant 16 : i32
    %mul3A_176 = arith.muli %mul3A_175, %add3A : i32
    %add3A_177 = arith.constant 9 : i32
    %add3A_178 = arith.addi %mul3A_176, %add3A_177 : i32
    %mul3A_179 = arith.constant 16 : i32
    %mul3A_180 = arith.muli %mul3A_179, %add3A : i32
    %sub3A_181 = arith.constant 504 : i32
    %sub3A_182 = arith.subi %sub3A_181, %mul3A_180 : i32
    %sub3A_183 = arith.constant 8 : i32
    %sub3A_184 = arith.subi %sub3A_182, %sub3A_183 : i32
    %add3A_185 = arith.constant 6096 : i32
    %add3A_186 = arith.addi %add3A_185, %sub3A_184 : i32
    %multiple_of3A_187 = tpu.assume_multiple %add3A_186, 8 : i32
    %dma_start3A_188 = arith.constant 0 : i32
    %dma_start3A_189 = arith.constant 0 : i32
    %dma_start3A_190 = tpu.memref_slice %arg3[%add3A_178, %dma_start3A_188, %dma_start3A_189] : memref<512x512x256xf32, #tpu.memory_space<hbm>> -> memref<1x512x256xf32, #tpu.memory_space<hbm>>
    %dma_start3A_191 = tpu.memref_squeeze %dma_start3A_190 : memref<1x512x256xf32, #tpu.memory_space<hbm>> -> memref<512x256xf32, #tpu.memory_space<hbm>>
    %dma_start3A_192 = arith.constant 0 : i32
    %dma_start3A_193 = tpu.memref_slice %arg4[%multiple_of3A_187, %dma_start3A_192] : memref<8128x256xf32, #tpu.memory_space<vmem_shared>> -> memref<512x256xf32, #tpu.memory_space<vmem_shared>>
    tpu.enqueue_dma source(%dma_start3A_193 : memref<512x256xf32, #tpu.memory_space<vmem_shared>>) target(%dma_start3A_191 : memref<512x256xf32, #tpu.memory_space<hbm>>) target_semaphore(%arg5 : memref<!tpu.dma_semaphore, #tpu.memory_space<semaphore_mem>>)
    %mul3A_194 = arith.constant 16 : i32
    %mul3A_195 = arith.muli %mul3A_194, %add3A : i32
    %add3A_196 = arith.constant 10 : i32
    %add3A_197 = arith.addi %mul3A_195, %add3A_196 : i32
    %mul3A_198 = arith.constant 16 : i32
    %mul3A_199 = arith.muli %mul3A_198, %add3A : i32
    %sub3A_200 = arith.constant 504 : i32
    %sub3A_201 = arith.subi %sub3A_200, %mul3A_199 : i32
    %sub3A_202 = arith.constant 8 : i32
    %sub3A_203 = arith.subi %sub3A_201, %sub3A_202 : i32
    %add3A_204 = arith.constant 5080 : i32
    %add3A_205 = arith.addi %add3A_204, %sub3A_203 : i32
    %multiple_of3A_206 = tpu.assume_multiple %add3A_205, 8 : i32
    %dma_start3A_207 = arith.constant 0 : i32
    %dma_start3A_208 = arith.constant 0 : i32
    %dma_start3A_209 = tpu.memref_slice %arg3[%add3A_197, %dma_start3A_207, %dma_start3A_208] : memref<512x512x256xf32, #tpu.memory_space<hbm>> -> memref<1x512x256xf32, #tpu.memory_space<hbm>>
    %dma_start3A_210 = tpu.memref_squeeze %dma_start3A_209 : memref<1x512x256xf32, #tpu.memory_space<hbm>> -> memref<512x256xf32, #tpu.memory_space<hbm>>
    %dma_start3A_211 = arith.constant 0 : i32
    %dma_start3A_212 = tpu.memref_slice %arg4[%multiple_of3A_206, %dma_start3A_211] : memref<8128x256xf32, #tpu.memory_space<vmem_shared>> -> memref<512x256xf32, #tpu.memory_space<vmem_shared>>
    tpu.enqueue_dma source(%dma_start3A_212 : memref<512x256xf32, #tpu.memory_space<vmem_shared>>) target(%dma_start3A_210 : memref<512x256xf32, #tpu.memory_space<hbm>>) target_semaphore(%arg5 : memref<!tpu.dma_semaphore, #tpu.memory_space<semaphore_mem>>)
    %mul3A_213 = arith.constant 16 : i32
    %mul3A_214 = arith.muli %mul3A_213, %add3A : i32
    %add3A_215 = arith.constant 11 : i32
    %add3A_216 = arith.addi %mul3A_214, %add3A_215 : i32
    %mul3A_217 = arith.constant 16 : i32
    %mul3A_218 = arith.muli %mul3A_217, %add3A : i32
    %sub3A_219 = arith.constant 504 : i32
    %sub3A_220 = arith.subi %sub3A_219, %mul3A_218 : i32
    %sub3A_221 = arith.constant 8 : i32
    %sub3A_222 = arith.subi %sub3A_220, %sub3A_221 : i32
    %add3A_223 = arith.constant 4064 : i32
    %add3A_224 = arith.addi %add3A_223, %sub3A_222 : i32
    %multiple_of3A_225 = tpu.assume_multiple %add3A_224, 8 : i32
    %dma_start3A_226 = arith.constant 0 : i32
    %dma_start3A_227 = arith.constant 0 : i32
    %dma_start3A_228 = tpu.memref_slice %arg3[%add3A_216, %dma_start3A_226, %dma_start3A_227] : memref<512x512x256xf32, #tpu.memory_space<hbm>> -> memref<1x512x256xf32, #tpu.memory_space<hbm>>
    %dma_start3A_229 = tpu.memref_squeeze %dma_start3A_228 : memref<1x512x256xf32, #tpu.memory_space<hbm>> -> memref<512x256xf32, #tpu.memory_space<hbm>>
    %dma_start3A_230 = arith.constant 0 : i32
    %dma_start3A_231 = tpu.memref_slice %arg4[%multiple_of3A_225, %dma_start3A_230] : memref<8128x256xf32, #tpu.memory_space<vmem_shared>> -> memref<512x256xf32, #tpu.memory_space<vmem_shared>>
    tpu.enqueue_dma source(%dma_start3A_231 : memref<512x256xf32, #tpu.memory_space<vmem_shared>>) target(%dma_start3A_229 : memref<512x256xf32, #tpu.memory_space<hbm>>) target_semaphore(%arg5 : memref<!tpu.dma_semaphore, #tpu.memory_space<semaphore_mem>>)
    %mul3A_232 = arith.constant 16 : i32
    %mul3A_233 = arith.muli %mul3A_232, %add3A : i32
    %add3A_234 = arith.constant 12 : i32
    %add3A_235 = arith.addi %mul3A_233, %add3A_234 : i32
    %mul3A_236 = arith.constant 16 : i32
    %mul3A_237 = arith.muli %mul3A_236, %add3A : i32
    %sub3A_238 = arith.constant 504 : i32
    %sub3A_239 = arith.subi %sub3A_238, %mul3A_237 : i32
    %sub3A_240 = arith.constant 8 : i32
    %sub3A_241 = arith.subi %sub3A_239, %sub3A_240 : i32
    %add3A_242 = arith.constant 3048 : i32
    %add3A_243 = arith.addi %add3A_242, %sub3A_241 : i32
    %multiple_of3A_244 = tpu.assume_multiple %add3A_243, 8 : i32
    %dma_start3A_245 = arith.constant 0 : i32
    %dma_start3A_246 = arith.constant 0 : i32
    %dma_start3A_247 = tpu.memref_slice %arg3[%add3A_235, %dma_start3A_245, %dma_start3A_246] : memref<512x512x256xf32, #tpu.memory_space<hbm>> -> memref<1x512x256xf32, #tpu.memory_space<hbm>>
    %dma_start3A_248 = tpu.memref_squeeze %dma_start3A_247 : memref<1x512x256xf32, #tpu.memory_space<hbm>> -> memref<512x256xf32, #tpu.memory_space<hbm>>
    %dma_start3A_249 = arith.constant 0 : i32
    %dma_start3A_250 = tpu.memref_slice %arg4[%multiple_of3A_244, %dma_start3A_249] : memref<8128x256xf32, #tpu.memory_space<vmem_shared>> -> memref<512x256xf32, #tpu.memory_space<vmem_shared>>
    tpu.enqueue_dma source(%dma_start3A_250 : memref<512x256xf32, #tpu.memory_space<vmem_shared>>) target(%dma_start3A_248 : memref<512x256xf32, #tpu.memory_space<hbm>>) target_semaphore(%arg5 : memref<!tpu.dma_semaphore, #tpu.memory_space<semaphore_mem>>)
    %mul3A_251 = arith.constant 16 : i32
    %mul3A_252 = arith.muli %mul3A_251, %add3A : i32
    %add3A_253 = arith.constant 13 : i32
    %add3A_254 = arith.addi %mul3A_252, %add3A_253 : i32
    %mul3A_255 = arith.constant 16 : i32
    %mul3A_256 = arith.muli %mul3A_255, %add3A : i32
    %sub3A_257 = arith.constant 504 : i32
    %sub3A_258 = arith.subi %sub3A_257, %mul3A_256 : i32
    %sub3A_259 = arith.constant 8 : i32
    %sub3A_260 = arith.subi %sub3A_258, %sub3A_259 : i32
    %add3A_261 = arith.constant 2032 : i32
    %add3A_262 = arith.addi %add3A_261, %sub3A_260 : i32
    %multiple_of3A_263 = tpu.assume_multiple %add3A_262, 8 : i32
    %dma_start3A_264 = arith.constant 0 : i32
    %dma_start3A_265 = arith.constant 0 : i32
    %dma_start3A_266 = tpu.memref_slice %arg3[%add3A_254, %dma_start3A_264, %dma_start3A_265] : memref<512x512x256xf32, #tpu.memory_space<hbm>> -> memref<1x512x256xf32, #tpu.memory_space<hbm>>
    %dma_start3A_267 = tpu.memref_squeeze %dma_start3A_266 : memref<1x512x256xf32, #tpu.memory_space<hbm>> -> memref<512x256xf32, #tpu.memory_space<hbm>>
    %dma_start3A_268 = arith.constant 0 : i32
    %dma_start3A_269 = tpu.memref_slice %arg4[%multiple_of3A_263, %dma_start3A_268] : memref<8128x256xf32, #tpu.memory_space<vmem_shared>> -> memref<512x256xf32, #tpu.memory_space<vmem_shared>>
    tpu.enqueue_dma source(%dma_start3A_269 : memref<512x256xf32, #tpu.memory_space<vmem_shared>>) target(%dma_start3A_267 : memref<512x256xf32, #tpu.memory_space<hbm>>) target_semaphore(%arg5 : memref<!tpu.dma_semaphore, #tpu.memory_space<semaphore_mem>>)
    %mul3A_270 = arith.constant 16 : i32
    %mul3A_271 = arith.muli %mul3A_270, %add3A : i32
    %add3A_272 = arith.constant 14 : i32
    %add3A_273 = arith.addi %mul3A_271, %add3A_272 : i32
    %mul3A_274 = arith.constant 16 : i32
    %mul3A_275 = arith.muli %mul3A_274, %add3A : i32
    %sub3A_276 = arith.constant 504 : i32
    %sub3A_277 = arith.subi %sub3A_276, %mul3A_275 : i32
    %sub3A_278 = arith.constant 8 : i32
    %sub3A_279 = arith.subi %sub3A_277, %sub3A_278 : i32
    %add3A_280 = arith.constant 1016 : i32
    %add3A_281 = arith.addi %add3A_280, %sub3A_279 : i32
    %multiple_of3A_282 = tpu.assume_multiple %add3A_281, 8 : i32
    %dma_start3A_283 = arith.constant 0 : i32
    %dma_start3A_284 = arith.constant 0 : i32
    %dma_start3A_285 = tpu.memref_slice %arg3[%add3A_273, %dma_start3A_283, %dma_start3A_284] : memref<512x512x256xf32, #tpu.memory_space<hbm>> -> memref<1x512x256xf32, #tpu.memory_space<hbm>>
    %dma_start3A_286 = tpu.memref_squeeze %dma_start3A_285 : memref<1x512x256xf32, #tpu.memory_space<hbm>> -> memref<512x256xf32, #tpu.memory_space<hbm>>
    %dma_start3A_287 = arith.constant 0 : i32
    %dma_start3A_288 = tpu.memref_slice %arg4[%multiple_of3A_282, %dma_start3A_287] : memref<8128x256xf32, #tpu.memory_space<vmem_shared>> -> memref<512x256xf32, #tpu.memory_space<vmem_shared>>
    tpu.enqueue_dma source(%dma_start3A_288 : memref<512x256xf32, #tpu.memory_space<vmem_shared>>) target(%dma_start3A_286 : memref<512x256xf32, #tpu.memory_space<hbm>>) target_semaphore(%arg5 : memref<!tpu.dma_semaphore, #tpu.memory_space<semaphore_mem>>)
    %mul3A_289 = arith.constant 16 : i32
    %mul3A_290 = arith.muli %mul3A_289, %add3A : i32
    %add3A_291 = arith.constant 15 : i32
    %add3A_292 = arith.addi %mul3A_290, %add3A_291 : i32
    %mul3A_293 = arith.constant 16 : i32
    %mul3A_294 = arith.muli %mul3A_293, %add3A : i32
    %sub3A_295 = arith.constant 504 : i32
    %sub3A_296 = arith.subi %sub3A_295, %mul3A_294 : i32
    %sub3A_297 = arith.constant 8 : i32
    %sub3A_298 = arith.subi %sub3A_296, %sub3A_297 : i32
    %add3A_299 = arith.constant 0 : i32
    %add3A_300 = arith.addi %add3A_299, %sub3A_298 : i32
    %multiple_of3A_301 = tpu.assume_multiple %add3A_300, 8 : i32
    %dma_start3A_302 = arith.constant 0 : i32
    %dma_start3A_303 = arith.constant 0 : i32
    %dma_start3A_304 = tpu.memref_slice %arg3[%add3A_292, %dma_start3A_302, %dma_start3A_303] : memref<512x512x256xf32, #tpu.memory_space<hbm>> -> memref<1x512x256xf32, #tpu.memory_space<hbm>>
    %dma_start3A_305 = tpu.memref_squeeze %dma_start3A_304 : memref<1x512x256xf32, #tpu.memory_space<hbm>> -> memref<512x256xf32, #tpu.memory_space<hbm>>
    %dma_start3A_306 = arith.constant 0 : i32
    %dma_start3A_307 = tpu.memref_slice %arg4[%multiple_of3A_301, %dma_start3A_306] : memref<8128x256xf32, #tpu.memory_space<vmem_shared>> -> memref<512x256xf32, #tpu.memory_space<vmem_shared>>
    tpu.enqueue_dma source(%dma_start3A_307 : memref<512x256xf32, #tpu.memory_space<vmem_shared>>) target(%dma_start3A_305 : memref<512x256xf32, #tpu.memory_space<hbm>>) target_semaphore(%arg5 : memref<!tpu.dma_semaphore, #tpu.memory_space<semaphore_mem>>)
    %dma_wait3A = arith.constant 0 : i32
    %dma_wait3A_308 = arith.constant 0 : i32
    %dma_wait3A_309 = tpu.memref_slice %arg3[%add3A_10, %dma_wait3A, %dma_wait3A_308] : memref<512x512x256xf32, #tpu.memory_space<hbm>> -> memref<1x512x256xf32, #tpu.memory_space<hbm>>
    %dma_wait3A_310 = tpu.memref_squeeze %dma_wait3A_309 : memref<1x512x256xf32, #tpu.memory_space<hbm>> -> memref<512x256xf32, #tpu.memory_space<hbm>>
    %dma_wait3A_311 = arith.constant 0 : i32
    %dma_wait3A_312 = tpu.memref_slice %arg4[%multiple_of3A, %dma_wait3A_311] : memref<8128x256xf32, #tpu.memory_space<vmem_shared>> -> memref<512x256xf32, #tpu.memory_space<vmem_shared>>
    tpu.wait_dma2 semaphore(%arg5 : memref<!tpu.dma_semaphore, #tpu.memory_space<semaphore_mem>>) src(%dma_wait3A_312 : memref<512x256xf32, #tpu.memory_space<vmem_shared>>) dst(%dma_wait3A_310 : memref<512x256xf32, #tpu.memory_space<hbm>>)
    %dma_wait3A_313 = arith.constant 0 : i32
    %dma_wait3A_314 = arith.constant 0 : i32
    %dma_wait3A_315 = tpu.memref_slice %arg3[%add3A_26, %dma_wait3A_313, %dma_wait3A_314] : memref<512x512x256xf32, #tpu.memory_space<hbm>> -> memref<1x512x256xf32, #tpu.memory_space<hbm>>
    %dma_wait3A_316 = tpu.memref_squeeze %dma_wait3A_315 : memref<1x512x256xf32, #tpu.memory_space<hbm>> -> memref<512x256xf32, #tpu.memory_space<hbm>>
    %dma_wait3A_317 = arith.constant 0 : i32
    %dma_wait3A_318 = tpu.memref_slice %arg4[%multiple_of3A_35, %dma_wait3A_317] : memref<8128x256xf32, #tpu.memory_space<vmem_shared>> -> memref<512x256xf32, #tpu.memory_space<vmem_shared>>
    tpu.wait_dma2 semaphore(%arg5 : memref<!tpu.dma_semaphore, #tpu.memory_space<semaphore_mem>>) src(%dma_wait3A_318 : memref<512x256xf32, #tpu.memory_space<vmem_shared>>) dst(%dma_wait3A_316 : memref<512x256xf32, #tpu.memory_space<hbm>>)
    %dma_wait3A_319 = arith.constant 0 : i32
    %dma_wait3A_320 = arith.constant 0 : i32
    %dma_wait3A_321 = tpu.memref_slice %arg3[%add3A_45, %dma_wait3A_319, %dma_wait3A_320] : memref<512x512x256xf32, #tpu.memory_space<hbm>> -> memref<1x512x256xf32, #tpu.memory_space<hbm>>
    %dma_wait3A_322 = tpu.memref_squeeze %dma_wait3A_321 : memref<1x512x256xf32, #tpu.memory_space<hbm>> -> memref<512x256xf32, #tpu.memory_space<hbm>>
    %dma_wait3A_323 = arith.constant 0 : i32
    %dma_wait3A_324 = tpu.memref_slice %arg4[%multiple_of3A_54, %dma_wait3A_323] : memref<8128x256xf32, #tpu.memory_space<vmem_shared>> -> memref<512x256xf32, #tpu.memory_space<vmem_shared>>
    tpu.wait_dma2 semaphore(%arg5 : memref<!tpu.dma_semaphore, #tpu.memory_space<semaphore_mem>>) src(%dma_wait3A_324 : memref<512x256xf32, #tpu.memory_space<vmem_shared>>) dst(%dma_wait3A_322 : memref<512x256xf32, #tpu.memory_space<hbm>>)
    %dma_wait3A_325 = arith.constant 0 : i32
    %dma_wait3A_326 = arith.constant 0 : i32
    %dma_wait3A_327 = tpu.memref_slice %arg3[%add3A_64, %dma_wait3A_325, %dma_wait3A_326] : memref<512x512x256xf32, #tpu.memory_space<hbm>> -> memref<1x512x256xf32, #tpu.memory_space<hbm>>
    %dma_wait3A_328 = tpu.memref_squeeze %dma_wait3A_327 : memref<1x512x256xf32, #tpu.memory_space<hbm>> -> memref<512x256xf32, #tpu.memory_space<hbm>>
    %dma_wait3A_329 = arith.constant 0 : i32
    %dma_wait3A_330 = tpu.memref_slice %arg4[%multiple_of3A_73, %dma_wait3A_329] : memref<8128x256xf32, #tpu.memory_space<vmem_shared>> -> memref<512x256xf32, #tpu.memory_space<vmem_shared>>
    tpu.wait_dma2 semaphore(%arg5 : memref<!tpu.dma_semaphore, #tpu.memory_space<semaphore_mem>>) src(%dma_wait3A_330 : memref<512x256xf32, #tpu.memory_space<vmem_shared>>) dst(%dma_wait3A_328 : memref<512x256xf32, #tpu.memory_space<hbm>>)
    %dma_wait3A_331 = arith.constant 0 : i32
    %dma_wait3A_332 = arith.constant 0 : i32
    %dma_wait3A_333 = tpu.memref_slice %arg3[%add3A_83, %dma_wait3A_331, %dma_wait3A_332] : memref<512x512x256xf32, #tpu.memory_space<hbm>> -> memref<1x512x256xf32, #tpu.memory_space<hbm>>
    %dma_wait3A_334 = tpu.memref_squeeze %dma_wait3A_333 : memref<1x512x256xf32, #tpu.memory_space<hbm>> -> memref<512x256xf32, #tpu.memory_space<hbm>>
    %dma_wait3A_335 = arith.constant 0 : i32
    %dma_wait3A_336 = tpu.memref_slice %arg4[%multiple_of3A_92, %dma_wait3A_335] : memref<8128x256xf32, #tpu.memory_space<vmem_shared>> -> memref<512x256xf32, #tpu.memory_space<vmem_shared>>
    tpu.wait_dma2 semaphore(%arg5 : memref<!tpu.dma_semaphore, #tpu.memory_space<semaphore_mem>>) src(%dma_wait3A_336 : memref<512x256xf32, #tpu.memory_space<vmem_shared>>) dst(%dma_wait3A_334 : memref<512x256xf32, #tpu.memory_space<hbm>>)
    %dma_wait3A_337 = arith.constant 0 : i32
    %dma_wait3A_338 = arith.constant 0 : i32
    %dma_wait3A_339 = tpu.memref_slice %arg3[%add3A_102, %dma_wait3A_337, %dma_wait3A_338] : memref<512x512x256xf32, #tpu.memory_space<hbm>> -> memref<1x512x256xf32, #tpu.memory_space<hbm>>
    %dma_wait3A_340 = tpu.memref_squeeze %dma_wait3A_339 : memref<1x512x256xf32, #tpu.memory_space<hbm>> -> memref<512x256xf32, #tpu.memory_space<hbm>>
    %dma_wait3A_341 = arith.constant 0 : i32
    %dma_wait3A_342 = tpu.memref_slice %arg4[%multiple_of3A_111, %dma_wait3A_341] : memref<8128x256xf32, #tpu.memory_space<vmem_shared>> -> memref<512x256xf32, #tpu.memory_space<vmem_shared>>
    tpu.wait_dma2 semaphore(%arg5 : memref<!tpu.dma_semaphore, #tpu.memory_space<semaphore_mem>>) src(%dma_wait3A_342 : memref<512x256xf32, #tpu.memory_space<vmem_shared>>) dst(%dma_wait3A_340 : memref<512x256xf32, #tpu.memory_space<hbm>>)
    %dma_wait3A_343 = arith.constant 0 : i32
    %dma_wait3A_344 = arith.constant 0 : i32
    %dma_wait3A_345 = tpu.memref_slice %arg3[%add3A_121, %dma_wait3A_343, %dma_wait3A_344] : memref<512x512x256xf32, #tpu.memory_space<hbm>> -> memref<1x512x256xf32, #tpu.memory_space<hbm>>
    %dma_wait3A_346 = tpu.memref_squeeze %dma_wait3A_345 : memref<1x512x256xf32, #tpu.memory_space<hbm>> -> memref<512x256xf32, #tpu.memory_space<hbm>>
    %dma_wait3A_347 = arith.constant 0 : i32
    %dma_wait3A_348 = tpu.memref_slice %arg4[%multiple_of3A_130, %dma_wait3A_347] : memref<8128x256xf32, #tpu.memory_space<vmem_shared>> -> memref<512x256xf32, #tpu.memory_space<vmem_shared>>
    tpu.wait_dma2 semaphore(%arg5 : memref<!tpu.dma_semaphore, #tpu.memory_space<semaphore_mem>>) src(%dma_wait3A_348 : memref<512x256xf32, #tpu.memory_space<vmem_shared>>) dst(%dma_wait3A_346 : memref<512x256xf32, #tpu.memory_space<hbm>>)
    %dma_wait3A_349 = arith.constant 0 : i32
    %dma_wait3A_350 = arith.constant 0 : i32
    %dma_wait3A_351 = tpu.memref_slice %arg3[%add3A_140, %dma_wait3A_349, %dma_wait3A_350] : memref<512x512x256xf32, #tpu.memory_space<hbm>> -> memref<1x512x256xf32, #tpu.memory_space<hbm>>
    %dma_wait3A_352 = tpu.memref_squeeze %dma_wait3A_351 : memref<1x512x256xf32, #tpu.memory_space<hbm>> -> memref<512x256xf32, #tpu.memory_space<hbm>>
    %dma_wait3A_353 = arith.constant 0 : i32
    %dma_wait3A_354 = tpu.memref_slice %arg4[%multiple_of3A_149, %dma_wait3A_353] : memref<8128x256xf32, #tpu.memory_space<vmem_shared>> -> memref<512x256xf32, #tpu.memory_space<vmem_shared>>
    tpu.wait_dma2 semaphore(%arg5 : memref<!tpu.dma_semaphore, #tpu.memory_space<semaphore_mem>>) src(%dma_wait3A_354 : memref<512x256xf32, #tpu.memory_space<vmem_shared>>) dst(%dma_wait3A_352 : memref<512x256xf32, #tpu.memory_space<hbm>>)
    %dma_wait3A_355 = arith.constant 0 : i32
    %dma_wait3A_356 = arith.constant 0 : i32
    %dma_wait3A_357 = tpu.memref_slice %arg3[%add3A_159, %dma_wait3A_355, %dma_wait3A_356] : memref<512x512x256xf32, #tpu.memory_space<hbm>> -> memref<1x512x256xf32, #tpu.memory_space<hbm>>
    %dma_wait3A_358 = tpu.memref_squeeze %dma_wait3A_357 : memref<1x512x256xf32, #tpu.memory_space<hbm>> -> memref<512x256xf32, #tpu.memory_space<hbm>>
    %dma_wait3A_359 = arith.constant 0 : i32
    %dma_wait3A_360 = tpu.memref_slice %arg4[%multiple_of3A_168, %dma_wait3A_359] : memref<8128x256xf32, #tpu.memory_space<vmem_shared>> -> memref<512x256xf32, #tpu.memory_space<vmem_shared>>
    tpu.wait_dma2 semaphore(%arg5 : memref<!tpu.dma_semaphore, #tpu.memory_space<semaphore_mem>>) src(%dma_wait3A_360 : memref<512x256xf32, #tpu.memory_space<vmem_shared>>) dst(%dma_wait3A_358 : memref<512x256xf32, #tpu.memory_space<hbm>>)
    %dma_wait3A_361 = arith.constant 0 : i32
    %dma_wait3A_362 = arith.constant 0 : i32
    %dma_wait3A_363 = tpu.memref_slice %arg3[%add3A_178, %dma_wait3A_361, %dma_wait3A_362] : memref<512x512x256xf32, #tpu.memory_space<hbm>> -> memref<1x512x256xf32, #tpu.memory_space<hbm>>
    %dma_wait3A_364 = tpu.memref_squeeze %dma_wait3A_363 : memref<1x512x256xf32, #tpu.memory_space<hbm>> -> memref<512x256xf32, #tpu.memory_space<hbm>>
    %dma_wait3A_365 = arith.constant 0 : i32
    %dma_wait3A_366 = tpu.memref_slice %arg4[%multiple_of3A_187, %dma_wait3A_365] : memref<8128x256xf32, #tpu.memory_space<vmem_shared>> -> memref<512x256xf32, #tpu.memory_space<vmem_shared>>
    tpu.wait_dma2 semaphore(%arg5 : memref<!tpu.dma_semaphore, #tpu.memory_space<semaphore_mem>>) src(%dma_wait3A_366 : memref<512x256xf32, #tpu.memory_space<vmem_shared>>) dst(%dma_wait3A_364 : memref<512x256xf32, #tpu.memory_space<hbm>>)
    %dma_wait3A_367 = arith.constant 0 : i32
    %dma_wait3A_368 = arith.constant 0 : i32
    %dma_wait3A_369 = tpu.memref_slice %arg3[%add3A_197, %dma_wait3A_367, %dma_wait3A_368] : memref<512x512x256xf32, #tpu.memory_space<hbm>> -> memref<1x512x256xf32, #tpu.memory_space<hbm>>
    %dma_wait3A_370 = tpu.memref_squeeze %dma_wait3A_369 : memref<1x512x256xf32, #tpu.memory_space<hbm>> -> memref<512x256xf32, #tpu.memory_space<hbm>>
    %dma_wait3A_371 = arith.constant 0 : i32
    %dma_wait3A_372 = tpu.memref_slice %arg4[%multiple_of3A_206, %dma_wait3A_371] : memref<8128x256xf32, #tpu.memory_space<vmem_shared>> -> memref<512x256xf32, #tpu.memory_space<vmem_shared>>
    tpu.wait_dma2 semaphore(%arg5 : memref<!tpu.dma_semaphore, #tpu.memory_space<semaphore_mem>>) src(%dma_wait3A_372 : memref<512x256xf32, #tpu.memory_space<vmem_shared>>) dst(%dma_wait3A_370 : memref<512x256xf32, #tpu.memory_space<hbm>>)
    %dma_wait3A_373 = arith.constant 0 : i32
    %dma_wait3A_374 = arith.constant 0 : i32
    %dma_wait3A_375 = tpu.memref_slice %arg3[%add3A_216, %dma_wait3A_373, %dma_wait3A_374] : memref<512x512x256xf32, #tpu.memory_space<hbm>> -> memref<1x512x256xf32, #tpu.memory_space<hbm>>
    %dma_wait3A_376 = tpu.memref_squeeze %dma_wait3A_375 : memref<1x512x256xf32, #tpu.memory_space<hbm>> -> memref<512x256xf32, #tpu.memory_space<hbm>>
    %dma_wait3A_377 = arith.constant 0 : i32
    %dma_wait3A_378 = tpu.memref_slice %arg4[%multiple_of3A_225, %dma_wait3A_377] : memref<8128x256xf32, #tpu.memory_space<vmem_shared>> -> memref<512x256xf32, #tpu.memory_space<vmem_shared>>
    tpu.wait_dma2 semaphore(%arg5 : memref<!tpu.dma_semaphore, #tpu.memory_space<semaphore_mem>>) src(%dma_wait3A_378 : memref<512x256xf32, #tpu.memory_space<vmem_shared>>) dst(%dma_wait3A_376 : memref<512x256xf32, #tpu.memory_space<hbm>>)
    %dma_wait3A_379 = arith.constant 0 : i32
    %dma_wait3A_380 = arith.constant 0 : i32
    %dma_wait3A_381 = tpu.memref_slice %arg3[%add3A_235, %dma_wait3A_379, %dma_wait3A_380] : memref<512x512x256xf32, #tpu.memory_space<hbm>> -> memref<1x512x256xf32, #tpu.memory_space<hbm>>
    %dma_wait3A_382 = tpu.memref_squeeze %dma_wait3A_381 : memref<1x512x256xf32, #tpu.memory_space<hbm>> -> memref<512x256xf32, #tpu.memory_space<hbm>>
    %dma_wait3A_383 = arith.constant 0 : i32
    %dma_wait3A_384 = tpu.memref_slice %arg4[%multiple_of3A_244, %dma_wait3A_383] : memref<8128x256xf32, #tpu.memory_space<vmem_shared>> -> memref<512x256xf32, #tpu.memory_space<vmem_shared>>
    tpu.wait_dma2 semaphore(%arg5 : memref<!tpu.dma_semaphore, #tpu.memory_space<semaphore_mem>>) src(%dma_wait3A_384 : memref<512x256xf32, #tpu.memory_space<vmem_shared>>) dst(%dma_wait3A_382 : memref<512x256xf32, #tpu.memory_space<hbm>>)
    %dma_wait3A_385 = arith.constant 0 : i32
    %dma_wait3A_386 = arith.constant 0 : i32
    %dma_wait3A_387 = tpu.memref_slice %arg3[%add3A_254, %dma_wait3A_385, %dma_wait3A_386] : memref<512x512x256xf32, #tpu.memory_space<hbm>> -> memref<1x512x256xf32, #tpu.memory_space<hbm>>
    %dma_wait3A_388 = tpu.memref_squeeze %dma_wait3A_387 : memref<1x512x256xf32, #tpu.memory_space<hbm>> -> memref<512x256xf32, #tpu.memory_space<hbm>>
    %dma_wait3A_389 = arith.constant 0 : i32
    %dma_wait3A_390 = tpu.memref_slice %arg4[%multiple_of3A_263, %dma_wait3A_389] : memref<8128x256xf32, #tpu.memory_space<vmem_shared>> -> memref<512x256xf32, #tpu.memory_space<vmem_shared>>
    tpu.wait_dma2 semaphore(%arg5 : memref<!tpu.dma_semaphore, #tpu.memory_space<semaphore_mem>>) src(%dma_wait3A_390 : memref<512x256xf32, #tpu.memory_space<vmem_shared>>) dst(%dma_wait3A_388 : memref<512x256xf32, #tpu.memory_space<hbm>>)
    %dma_wait3A_391 = arith.constant 0 : i32
    %dma_wait3A_392 = arith.constant 0 : i32
    %dma_wait3A_393 = tpu.memref_slice %arg3[%add3A_273, %dma_wait3A_391, %dma_wait3A_392] : memref<512x512x256xf32, #tpu.memory_space<hbm>> -> memref<1x512x256xf32, #tpu.memory_space<hbm>>
    %dma_wait3A_394 = tpu.memref_squeeze %dma_wait3A_393 : memref<1x512x256xf32, #tpu.memory_space<hbm>> -> memref<512x256xf32, #tpu.memory_space<hbm>>
    %dma_wait3A_395 = arith.constant 0 : i32
    %dma_wait3A_396 = tpu.memref_slice %arg4[%multiple_of3A_282, %dma_wait3A_395] : memref<8128x256xf32, #tpu.memory_space<vmem_shared>> -> memref<512x256xf32, #tpu.memory_space<vmem_shared>>
    tpu.wait_dma2 semaphore(%arg5 : memref<!tpu.dma_semaphore, #tpu.memory_space<semaphore_mem>>) src(%dma_wait3A_396 : memref<512x256xf32, #tpu.memory_space<vmem_shared>>) dst(%dma_wait3A_394 : memref<512x256xf32, #tpu.memory_space<hbm>>)
    %dma_wait3A_397 = arith.constant 0 : i32
    %dma_wait3A_398 = arith.constant 0 : i32
    %dma_wait3A_399 = tpu.memref_slice %arg3[%add3A_292, %dma_wait3A_397, %dma_wait3A_398] : memref<512x512x256xf32, #tpu.memory_space<hbm>> -> memref<1x512x256xf32, #tpu.memory_space<hbm>>
    %dma_wait3A_400 = tpu.memref_squeeze %dma_wait3A_399 : memref<1x512x256xf32, #tpu.memory_space<hbm>> -> memref<512x256xf32, #tpu.memory_space<hbm>>
    %dma_wait3A_401 = arith.constant 0 : i32
    %dma_wait3A_402 = tpu.memref_slice %arg4[%multiple_of3A_301, %dma_wait3A_401] : memref<8128x256xf32, #tpu.memory_space<vmem_shared>> -> memref<512x256xf32, #tpu.memory_space<vmem_shared>>
    tpu.wait_dma2 semaphore(%arg5 : memref<!tpu.dma_semaphore, #tpu.memory_space<semaphore_mem>>) src(%dma_wait3A_402 : memref<512x256xf32, #tpu.memory_space<vmem_shared>>) dst(%dma_wait3A_400 : memref<512x256xf32, #tpu.memory_space<hbm>>)
    return
  }
}

module attributes {stable_mosaic.version = 14 : i64} {
  func.func @_build_parts(%arg0: memref<129x256xf32, #tpu.memory_space<vmem>>, %arg1: memref<2048x256xf32, #tpu.memory_space<vmem>>) attributes {dimension_semantics = [], scalar_prefetch = 0 : i64, scratch_operands = 0 : i64, tpu.core_type = #tpu.core_type<tc>} {
    %get3A = arith.constant 0 : index
    %get3A_0 = arith.constant 0 : index
    %get3A_1 = vector.load %arg0[%get3A, %get3A_0] : memref<129x256xf32, #tpu.memory_space<vmem>>, vector<129x256xf32>
    %slice3A = vector.extract_strided_slice %get3A_1 {offsets = [0, 0], sizes = [1, 256], strides = [1, 1]} : vector<129x256xf32> to vector<1x256xf32>
    %slice3A_2 = vector.extract_strided_slice %get3A_1 {offsets = [128, 0], sizes = [1, 256], strides = [1, 1]} : vector<129x256xf32> to vector<1x256xf32>
    %broadcast_in_dim3A = vector.shape_cast %slice3A : vector<1x256xf32> to vector<1x256xf32>
    %broadcast_in_dim3A_3 = vector.broadcast %broadcast_in_dim3A : vector<1x256xf32> to vector<440x256xf32>
    %broadcast_in_dim3A_4 = vector.shape_cast %slice3A_2 : vector<1x256xf32> to vector<1x256xf32>
    %broadcast_in_dim3A_5 = vector.broadcast %broadcast_in_dim3A_4 : vector<1x256xf32> to vector<440x256xf32>
    %broadcast_in_dim3A_6 = vector.shape_cast %slice3A : vector<1x256xf32> to vector<1x256xf32>
    %broadcast_in_dim3A_7 = vector.broadcast %broadcast_in_dim3A_6 : vector<1x256xf32> to vector<7x256xf32>
    %broadcast_in_dim3A_8 = vector.shape_cast %slice3A : vector<1x256xf32> to vector<1x256xf32>
    %broadcast_in_dim3A_9 = vector.broadcast %broadcast_in_dim3A_8 : vector<1x256xf32> to vector<6x256xf32>
    %broadcast_in_dim3A_10 = vector.shape_cast %slice3A : vector<1x256xf32> to vector<1x256xf32>
    %broadcast_in_dim3A_11 = vector.broadcast %broadcast_in_dim3A_10 : vector<1x256xf32> to vector<5x256xf32>
    %broadcast_in_dim3A_12 = vector.shape_cast %slice3A_2 : vector<1x256xf32> to vector<1x256xf32>
    %broadcast_in_dim3A_13 = vector.broadcast %broadcast_in_dim3A_12 : vector<1x256xf32> to vector<2x256xf32>
    %broadcast_in_dim3A_14 = vector.shape_cast %slice3A : vector<1x256xf32> to vector<1x256xf32>
    %broadcast_in_dim3A_15 = vector.broadcast %broadcast_in_dim3A_14 : vector<1x256xf32> to vector<4x256xf32>
    %broadcast_in_dim3A_16 = vector.shape_cast %slice3A_2 : vector<1x256xf32> to vector<1x256xf32>
    %broadcast_in_dim3A_17 = vector.broadcast %broadcast_in_dim3A_16 : vector<1x256xf32> to vector<3x256xf32>
    %broadcast_in_dim3A_18 = vector.shape_cast %slice3A : vector<1x256xf32> to vector<1x256xf32>
    %broadcast_in_dim3A_19 = vector.broadcast %broadcast_in_dim3A_18 : vector<1x256xf32> to vector<3x256xf32>
    %broadcast_in_dim3A_20 = vector.shape_cast %slice3A_2 : vector<1x256xf32> to vector<1x256xf32>
    %broadcast_in_dim3A_21 = vector.broadcast %broadcast_in_dim3A_20 : vector<1x256xf32> to vector<4x256xf32>
    %broadcast_in_dim3A_22 = vector.shape_cast %slice3A : vector<1x256xf32> to vector<1x256xf32>
    %broadcast_in_dim3A_23 = vector.broadcast %broadcast_in_dim3A_22 : vector<1x256xf32> to vector<2x256xf32>
    %broadcast_in_dim3A_24 = vector.shape_cast %slice3A_2 : vector<1x256xf32> to vector<1x256xf32>
    %broadcast_in_dim3A_25 = vector.broadcast %broadcast_in_dim3A_24 : vector<1x256xf32> to vector<5x256xf32>
    %broadcast_in_dim3A_26 = vector.shape_cast %slice3A_2 : vector<1x256xf32> to vector<1x256xf32>
    %broadcast_in_dim3A_27 = vector.broadcast %broadcast_in_dim3A_26 : vector<1x256xf32> to vector<6x256xf32>
    %broadcast_in_dim3A_28 = vector.shape_cast %slice3A_2 : vector<1x256xf32> to vector<1x256xf32>
    %broadcast_in_dim3A_29 = vector.broadcast %broadcast_in_dim3A_28 : vector<1x256xf32> to vector<7x256xf32>
    %broadcast_in_dim3A_30 = vector.shape_cast %slice3A_2 : vector<1x256xf32> to vector<1x256xf32>
    %broadcast_in_dim3A_31 = vector.broadcast %broadcast_in_dim3A_30 : vector<1x256xf32> to vector<80x256xf32>
    %concatenate3A = tpu.concatenate %broadcast_in_dim3A_3, %broadcast_in_dim3A_5, %broadcast_in_dim3A_7, %get3A_1, %broadcast_in_dim3A_9, %get3A_1, %slice3A_2, %broadcast_in_dim3A_11, %get3A_1, %broadcast_in_dim3A_13, %broadcast_in_dim3A_15, %get3A_1, %broadcast_in_dim3A_17, %broadcast_in_dim3A_19, %get3A_1, %broadcast_in_dim3A_21, %broadcast_in_dim3A_23, %get3A_1, %broadcast_in_dim3A_25, %slice3A, %get3A_1, %broadcast_in_dim3A_27, %get3A_1, %broadcast_in_dim3A_29, %broadcast_in_dim3A_31 in 0 : vector<440x256xf32>, vector<440x256xf32>, vector<7x256xf32>, vector<129x256xf32>, vector<6x256xf32>, vector<129x256xf32>, vector<1x256xf32>, vector<5x256xf32>, vector<129x256xf32>, vector<2x256xf32>, vector<4x256xf32>, vector<129x256xf32>, vector<3x256xf32>, vector<3x256xf32>, vector<129x256xf32>, vector<4x256xf32>, vector<2x256xf32>, vector<129x256xf32>, vector<5x256xf32>, vector<1x256xf32>, vector<129x256xf32>, vector<6x256xf32>, vector<129x256xf32>, vector<7x256xf32>, vector<80x256xf32> -> vector<2048x256xf32>
    %swap3A = arith.constant 0 : index
    %swap3A_32 = arith.constant 0 : index
    %swap3A_33 = vector.load %arg1[%swap3A, %swap3A_32] : memref<2048x256xf32, #tpu.memory_space<vmem>>, vector<2048x256xf32>
    tpu.vector_store %arg1[%swap3A, %swap3A_32], %concatenate3A {strides = array<i32>} : memref<2048x256xf32, #tpu.memory_space<vmem>>, vector<2048x256xf32>,
    return
  }
}

</mosaic_0001>

<sc_bundles>
// kernel: kernel.4.cloned.1.call-start
scs
__scs_entry_jumppad:
0x0: {  	(pc) =	sbr.rel $0x88, $3  }
0x1: {  	(tag) =	ssettag $0x0;
	lr =	simm.s32 $0x1  }
0x2: {  	[smem:$0x3FA0] =	sst lr;
	_ =	strace $0xD0000000  }
0x3: {  	_ = 	snop  }
0x4: {  	_ = 	snop  }
0x5: {  	_ = 	snop  }
0x6: {  	_ = 	snop  }
0x7: {  	_ = 	snop  }
__scs_overlays_trampoline_lowered:
0x8: {  	[smem:$0x3FAF] =	sst s0  }
0x9: {  	[smem:$0x3FB0] =	sst s1  }
0xa: {  	[smem:$0x3FB1] =	sst s2  }
0xb: {  	[smem:$0x3FB2] =	sst s3  }
0xc: {  	[smem:$0x3FB3] =	sst s4  }
0xd: {  	[smem:$0x3FB4] =	sst s5  }
0xe: {  	[smem:$0x3FB5] =	sst s6  }
0xf: {  	[smem:$0x3FB6] =	sst s7  }
0x10: {  	[smem:$0x3FB7] =	sst s8  }
0x11: {  	[smem:$0x3FB8] =	sst s9;
	s0 =	simm.s32 @!p0 $0x0  }
0x12: {  	s1 =	sld [smem:$0x3F9E];
	s0 =	simm.s32 @p0 $0x1  }
0x13: {  	[smem:$0x3FB9] =	sst s0;
	s0 =	simm.s32 @!p1 $0x0  }
0x14: {  	s2 =	sld [smem:$0x3F9D];
	s0 =	simm.s32 @p1 $0x1  }
0x15: {  	[smem:$0x3FBA] =	sst s0;
	s0 =	simm.s32 @!p2 $0x0  }
0x16: {  	s3 =	sld [smem:$0x3FDB];
	s0 =	simm.s32 @p2 $0x1  }
0x17: {  	s4 =	simm.s32 $0x1BF5;
	[smem:$0x3FBC] =	sst s0  }
0x18: {  	s0 =	sld [smem:$0x3F9F];
	_ =	swait.ge [sflag:s4], $0x0  }
0x19: {  	s7 =	sld [smem:$0x3FA0]  }
0x1a: {  	s8 =	sadd.s32 $0xFFFFE003, lr  }
0x1b: {  	s9 =	sadd.s32 $0xFFFFFEF7, lr;
	s5 =	simm.s32 $0xFFFFFFFF;
	p2 =	slt.u32 s8, $0xFFFFF086  }
0x1c: {  	p1 =	slt.u32 s9, $0xF7A;
	s5 =	simm.s32 @!p2 $0x0  }
0x1d: {  	s5 =	simm.s32 @p1 $0x1;
	p0 =	seq.s32 s7, s2  }
0x1e: {  	s7 =	smul.u32 @!p0 $0xF7A, s2;
	p2 =	seq.s32 @!p0 s5, $0x0  }
0x1f: {  	s9 =	smul.u32 $0xF7A, s1;
	s8 =	simm.s32 @!p0 $0x1BF5;
	p2 =	por !p2, p0  }
0x20: {  	[sflag:s8] =	ssyncset.s32 @!p0 $0xFFFFF086;
	s6 =	sadd.s32 @!p0 s3, s7;
	s7 =	simm.s32 @!p0 $0x108  }
0x21: {  	s3 =	sadd.s32 s3, s9;
	s6 =	sadd.s32 @!p0 $0x88, s6;
	s7 =	simm.s32 @p2 $0x1082  }
0x22: {  	[simem:s7], [sflag:s8] =	dma.local @!p0 [hbm:s6], $0xF7A  }
0x23: {  	s9 =	sor.u32 $0xD0000000, s2;
	s6 =	simm.s32 $0x108;
	_ =	swait.ge @!p0 [sflag:s8], $0x0  }
0x24: {  	s3 =	sadd.s32 $0x88, s3;
	s6 =	simm.s32 @!p1 $0x1082;
	[sflag:s4] =	ssyncset.s32 $0xFFFFF086  }
0x25: {  	[simem:s6], [sflag:s4] =	dma.local [hbm:s3], $0xF7A  }
0x26: {  	[smem:$0x3FA0] =	sst s1;
	(tag) =	ssettag s2;
	_ =	strace s9  }
0x27: {  	s1 =	sld [smem:$0x3FB0]  }
0x28: {  	s2 =	sld [smem:$0x3FB1]  }
0x29: {  	s4 =	sld [smem:$0x3FB3]  }
0x2a: {  	p0 =	seq.s32 s5, $0x0;
	s5 =	sld [smem:$0x3FB4]  }
0x2b: {  	s6 =	sld [smem:$0x3FB5]  }
0x2c: {  	s7 =	sld [smem:$0x3FB6]  }
0x2d: {  	s3 =	simm.s32 $0x108;
	s8 =	sld [smem:$0x3FB7]  }
0x2e: {  	s3 =	simm.s32 @!p0 $0x1082;
	s9 =	sld [smem:$0x3FB8]  }
0x2f: {  	lr =	sadd.s32 s0, s3;
	s0 =	sld [smem:$0x3FAF]  }
0x30: {  	s3 =	sld [smem:$0x3FB2]  }
0x31: {  	[smem:$0x3FBB] =	sst s10  }
0x32: {  	s10 =	sld [smem:$0x3FB9];
	_ =	sdelay $0x3  }
0x33: {  	p0 =	seq.s32 s10, $0x1;
	s10 =	sld [smem:$0x3FBB];
	_ =	sdelay $0x3  }
0x34: {  	[smem:$0x3FBB] =	sst s10  }
0x35: {  	s10 =	sld [smem:$0x3FBA];
	_ =	sdelay $0x3  }
0x36: {  	p1 =	seq.s32 s10, $0x1;
	s10 =	sld [smem:$0x3FBB];
	_ =	sdelay $0x3  }
0x37: {  	[smem:$0x3FBB] =	sst s10  }
0x38: {  	s10 =	sld [smem:$0x3FBC]  }
0x39: {  	_ = 	snop;
	(pc) =	sbr.ind lr, $3  }
0x3a: {  	_ = 	snop  }
0x3b: {  	_ = 	snop  }
0x3c: {  	p2 =	seq.s32 s10, $0x1;
	s10 =	sld [smem:$0x3FBB]  }
0x3d: {  	_ =	shalt  }
0x3e: {  	_ =	shalt  }
0x3f: {  	_ =	shalt  }
0x40: {  	_ =	shalt  }
0x41: {  	_ =	shalt  }
0x42: {  	_ =	shalt  }
0x43: {  	_ =	shalt  }
0x44: {  	_ =	shalt  }
0x45: {  	_ =	shalt  }
0x46: {  	_ =	shalt  }
0x47: {  	_ =	shalt  }
0x48: {  	_ =	shalt  }
0x49: {  	_ =	shalt  }
0x4a: {  	_ =	shalt  }
0x4b: {  	_ =	shalt  }
0x4c: {  	_ =	shalt  }
0x4d: {  	_ =	shalt  }
0x4e: {  	_ =	shalt  }
0x4f: {  	_ =	shalt  }
0x50: {  	_ =	shalt  }
0x51: {  	_ =	shalt  }
0x52: {  	_ =	shalt  }
0x53: {  	_ =	shalt  }
0x54: {  	_ =	shalt  }
0x55: {  	_ =	shalt  }
0x56: {  	_ =	shalt  }
0x57: {  	_ =	shalt  }
0x58: {  	_ =	shalt  }
0x59: {  	_ =	shalt  }
0x5a: {  	_ =	shalt  }
0x5b: {  	_ =	shalt  }
0x5c: {  	_ =	shalt  }
0x5d: {  	_ =	shalt  }
0x5e: {  	_ =	shalt  }
0x5f: {  	_ =	shalt  }
0x60: {  	_ =	shalt  }
0x61: {  	_ =	shalt  }
0x62: {  	_ =	shalt  }
0x63: {  	_ =	shalt  }
0x64: {  	_ =	shalt  }
0x65: {  	_ =	shalt  }
0x66: {  	_ =	shalt  }
0x67: {  	_ =	shalt  }
0x68: {  	_ =	shalt  }
0x69: {  	_ =	shalt  }
0x6a: {  	_ =	shalt  }
0x6b: {  	_ =	shalt  }
0x6c: {  	_ =	shalt  }
0x6d: {  	_ =	shalt  }
0x6e: {  	_ =	shalt  }
0x6f: {  	_ =	shalt  }
0x70: {  	_ =	shalt  }
0x71: {  	_ =	shalt  }
0x72: {  	_ =	shalt  }
0x73: {  	_ =	shalt  }
0x74: {  	_ =	shalt  }
0x75: {  	_ =	shalt  }
0x76: {  	_ =	shalt  }
0x77: {  	_ =	shalt  }
0x78: {  	_ =	shalt  }
0x79: {  	_ =	shalt  }
0x7a: {  	_ =	shalt  }
0x7b: {  	_ =	shalt  }
0x7c: {  	_ =	shalt  }
0x7d: {  	_ =	shalt  }
0x7e: {  	_ =	shalt  }
0x7f: {  	_ =	shalt  }
0x80: {  	_ =	shalt  }
0x81: {  	_ =	shalt  }
0x82: {  	_ =	shalt  }
0x83: {  	_ =	shalt  }
0x84: {  	_ =	shalt  }
0x85: {  	_ =	shalt  }
0x86: {  	_ =	shalt  }
0x87: {  	_ =	shalt  }
.Lfunc_end0:
.L_simem_size_0:
called_computation_lowered:
.L_overlay_start_0:
0x88: {  	s2 =	sld [smem:$0x3FD9]  }
0x89: {  	s3 =	sld [smem:$0x3FFE];
	_ =	sdelay $0x1  }
0x8a: {  	s1 =	srdreg.scid  }
0x8b: {  	s0 =	sand.u32 $0x1, s1  }
0x8c: {  	s17 =	sshll.u32 s0, $0xA;
	s2 =	sadd.s32 s3, s2  }
0x8d: {  	s2 =	sadd.s32 s2, s17  }
0x8e: {  	[smem:$0x3FC7] =	sst s2  }
0x8f: {  	_ = 	snop  }
0x90: {  	s2 =	sld [smem:$0x3FD0];
	(tm) =	ssettm $0x1  }
0x91: {  	s18 =	sld [smem:$0x3FFB];
	_ =	sdelay $0x3  }
0x92: {  	_ =	strace s18  }
0x93: {  	s3 =	sld [smem:$0x3FFC];
	_ =	sdelay $0x3  }
0x94: {  	_ =	strace s3  }
0x95: {  	s3 =	sld [smem:$0x3FFD];
	_ =	sdelay $0x3  }
0x96: {  	_ =	strace s3  }
0x97: {  	_ =	strace $0x8FFFFFFF  }
0x98: {  	s19 =	sld [smem:$0x3FDB];
	_ =	sdelay $0x1  }
0x99: {  	s4 =	simm.s32 $_scs_section_size  }
0x9a: {  	s5 =	simm.s32 $_size__tile_overlayer_lowered;
	s6 =	simm.s32 $_tile_overlayer_lowered  }
0x9b: {  	s22 =	simm.s32 $0x1BFF;
	s21 =	sshll.u32 s6, $0x1;
	s3 =	sadd.s32 s4, s19  }
0x9c: {  	s7 =	simm.s32 $0x0;
	s20 =	sshll.u32 s5, $0x1;
	s5 =	sadd.s32 s21, s3  }
0x9d: {  	[timem:s7], [sflag:s22] =	dma.local [hbm:s5], s20  }
0x9e: {  	_ =	swait.ge [sflag:s22], s20  }
0x9f: {  	s4 =	ssub.s32 $0x0, s20;
	[sflag:s22] =	ssyncset.done $0x0  }
0xa0: {  	[sflag:s22] =	ssyncadd.s32 s4;
	_ =	sdelay $0x1  }
0xa1: {  	s23 =	simm.s32 $0x1B8B  }
0xa2: {  	_ =	swait.ge [sflag:s23], $0x1  }
0xa3: {  	[sflag:s23] =	ssyncset.done $0x0  }
0xa4: {  	s25 =	simm.s32 $0x1B8E;
	s24 =	sld [smem:$0x3FFE];
	[sflag:s23] =	ssyncadd.s32 $0xFFFFFFFF  }
0xa5: {  	s26 =	simm.s32 $execute0_lowered;
	[smem:$0x3FD2] =	sst s25  }
0xa6: {  	s5 =	sshll.u32 s26, $0x1;
	_ =	strace $0x80000046;
	[dreg:$0x1] =	wrdreg $0xFFFFFFFF  }
0xa7: {  	s28 =	simm.s32 $_size_execute0_lowered;
	s3 =	sadd.s32 s3, s5;
	[dreg:$0x0] =	wrdreg $0x0  }
0xa8: {  	s5 =	sshll.u32 s28, $0x1;
	[dreg:$0x2] =	wrdreg s3  }
0xa9: {  	[dreg:$0x3] =	wrdreg s5  }
0xaa: {  	[dreg:$0x4] =	wrdreg $0xC0  }
0xab: {  	_ =	task [dreg:s7], $0x5FFFF  }
0xac: {  	[dreg:$0x1] =	wrdreg $0xFFFFFFFF  }
0xad: {  	[dreg:$0x0] =	wrdreg $0x60  }
0xae: {  	[dreg:$0x2] =	wrdreg s24  }
0xaf: {  	[dreg:$0x3] =	wrdreg s2  }
0xb0: {  	[dreg:$0x4] =	wrdreg $0x0  }
0xb1: {  	[dreg:$0x5] =	wrdreg $0x9  }
0xb2: {  	_ =	task.clear_ibuf [dreg:s7], $0x6FFFF;
	_ =	strace $0x90000046  }
0xb3: {  	s29 =	simm.s32 $0x9;
	_ =	strace $0x80000048  }
0xb4: {  	_ =	swait.ge [sflag:s29], $0x1  }
0xb5: {  	[sflag:s29] =	ssyncadd.s32 $0xFFFFFFFF  }
0xb6: {  	_ =	strace $0x90000048  }
0xb7: {  	_ =	sfence  }
0xb8: {  	s30 =	sld [smem:$0x0];
	_ =	sdelay $0x2  }
0xb9: {  	s31 =	sshll.u32 s1, $0xD;
	s1 =	sshrl.u32 s1, $0x2  }
0xba: {  	s3 =	sand.u32 $0x4000, s31;
	s1 =	sadd.s32 s1, s30  }
0xbb: {  	s0 =	sor.u32 s3, s0;
	s1 =	sshll.u32 s1, $0x11  }
0xbc: {  	s0 =	sor.u32 s1, s0  }
0xbd: {  	s0 =	sadd.s32 $0x8F2B, s0  }
0xbe: {  	[sflag:s0] =	ssyncadd.remote.s32 $0x1  }
0xbf: {  	_ =	sfence.sel $0xFFFF  }
0xc0: {  	[dreg:$0x0] =	wrdreg $0xFFFFFFFF;
	(pc) =	sbr.abs _section_cstart, $3  }
0xc1: {  	[dreg:$0x1] =	wrdreg $0xFFFFFFFF  }
0xc2: {  	_ =	task.clear_ibuf [dreg:s7], $0x2FFFF;
	_ =	strace $0x9FFFFFFF  }
0xc3: {  	(tm) =	ssettm $0x7FFFFFFF  }
tec
execute0_lowered:
.L_overlay_start_1:
0x0: {  	(tag) =	ssettag $0x1  }
0x1: {  	s3 =	rddreg [dreg:$0x0]  }
0x2: {  	s4 =	rddreg [dreg:$0x1]  }
0x3: {  	s0 =	stileid.u32;
	s9 =	rddreg [dreg:$0x2]  }
0x4: {  	s1 =	rddreg [dreg:$0x3];
	s2 =	simm.s32 $0x0;
	s7 =	srdreg.scid  }
0x5: {  	s5 =	smul.u32 $0x8800, s0;
	[smem:$0x7FF] =	sst s2  }
0x6: {  	s2 =	sadd.s32 $0x800, s3;
	s28 =	sand.u32 $0x1, s7;
	s8 =	sshll.u32 s0, $0x4  }
0x7: {  	s3 =	sadd.s32 $0x3F00, s3;
	_ =	strace $0x80000047;
	s7 =	sshll.u32 s28, $0x8  }
0x8: {  	[dreg:$0x5] =	wrdreg s3;
	s6 =	sadd.s32 $0xFFFBC000, s5;
	s5 =	sshrl.u32 s5, $0x3  }
0x9: {  	s10 =	sor.u32 s8, s7;
	s6 =	sshrl.u32 s6, $0x3;
	s5 =	sadd.s32 s2, s5  }
0xa: {  	s15 =	sshll.u32 s10, $0xE;
	s6 =	sadd.s32 s2, s6;
	s5 =	sadd.s32 $0x6E00, s5  }
0xb: {  	s3 =	sadd.s32 s4, s15;
	s6 =	sadd.s32 $0x7600, s6;
	[dreg:$0x6] =	wrdreg s5  }
0xc: {  	s4 =	sadd.s32 $0x4000, s3;
	[dreg:$0x4] =	wrdreg s6  }
0xd: {  	s16 =	sadd.s32 $0x8000, s3;
	[dreg:$0x7] =	wrdreg s4  }
0xe: {  	s17 =	sadd.s32 $0xC000, s3;
	[dreg:$0x8] =	wrdreg s16  }
0xf: {  	s18 =	sadd.s32 $0x10000, s3;
	[dreg:$0x9] =	wrdreg s17  }
0x10: {  	s19 =	sadd.s32 $0x14000, s3;
	[dreg:$0xa] =	wrdreg s18  }
0x11: {  	s20 =	sadd.s32 $0x18000, s3;
	[dreg:$0xb] =	wrdreg s19  }
0x12: {  	s21 =	sadd.s32 $0x1C000, s3;
	[dreg:$0xc] =	wrdreg s20  }
0x13: {  	s22 =	sadd.s32 $0x20000, s3;
	[dreg:$0xd] =	wrdreg s21  }
0x14: {  	s24 =	sadd.s32 $0x24000, s3;
	[dreg:$0xe] =	wrdreg s22  }
0x15: {  	s25 =	sadd.s32 $0x28000, s3;
	[dreg:$0xf] =	wrdreg s24  }
0x16: {  	s23 =	smul.u32 $0xFE000, s0;
	s29 =	sadd.s32 $0x2C000, s3;
	[dreg:$0x10] =	wrdreg s25  }
0x17: {  	s30 =	sadd.s32 $0x30000, s3;
	[dreg:$0x11] =	wrdreg s29  }
0x18: {  	s26 =	sadd.s32 $0xFF810000, s23;
	s31 =	sadd.s32 $0x34000, s3;
	[dreg:$0x12] =	wrdreg s30  }
0x19: {  	s8 =	sadd.s32 $0x38000, s3;
	s6 =	sshra.s32 s26, $0x2;
	[dreg:$0x13] =	wrdreg s31  }
0x1a: {  	s11 =	sadd.s32 $0x3C000, s3;
	[dreg:$0x14] =	wrdreg s8;
	s6 =	sadd.s32 s6, s9  }
0x1b: {  	p0 =	sgt.u32 s0, $0x7;
	[dreg:$0x15] =	wrdreg s11;
	s7 =	sadd.s32 $0x1F800, s6  }
0x1c: {  	s5 =	sshrl.u32 s23, $0x2;
	s8 =	rddreg [dreg:$0x4];
	s4 =	sshrl.u32 @p0 s7, $0x3  }
0x1d: {  	s7 =	sadd.s32 s5, s9;
	[dreg:$0x16] =	wrdreg s4;
	s4 =	sadd.s32 $0x24000, s6  }
0x1e: {  	s6 =	sadd.s32 $0x1B800, s7;
	s5 =	rddreg [dreg:$0x16];
	s4 =	sshrl.u32 @p0 s4, $0x3  }
0x1f: {  	[dreg:$0x17] =	wrdreg s4;
	s4 =	sshrl.u32 @!p0 s6, $0x3;
	s6 =	sshll.u32 @p0 s0, $0x6  }
0x20: {  	[dreg:$0x18] =	wrdreg s4;
	s4 =	sor.u32 @p0 $0x1C01, s6  }
0x21: {  	[spmem:s5], [sflag:s4] =	dma.local @p0 [hbm:s8], $0x900  }
0x22: {  	s6 =	rddreg [dreg:$0x5]  }
0x23: {  	s5 =	simm.s32 @p0 $0x1;
	s8 =	rddreg [dreg:$0x17]  }
0x24: {  	[spmem:s8], [sflag:s4] =	dma.local @p0 [hbm:s6], $0x3700  }
0x25: {  	_ =	swait.ge @p0 [sflag:s5], $0x900  }
0x26: {  	[sflag:s5] =	ssyncset.done @p0 $0x0  }
0x27: {  	[sflag:s5] =	ssyncadd.s32 @p0 $0xFFFFF700  }
0x28: {  	_ =	swait.ge @p0 [sflag:s5], $0x3700  }
0x29: {  	s6 =	sshll.u32 @!p0 s0, $0x6;
	[sflag:s5] =	ssyncset.done @p0 $0x0  }
0x2a: {  	s7 =	sshrl.u32 @!p0 s7, $0x3;
	s6 =	sor.u32 @!p0 $0x1C01, s6;
	[sflag:s5] =	ssyncadd.s32 @p0 $0xFFFFC900  }
0x2b: {  	[spmem:s7], [sflag:s6] =	dma.local @!p0 [hbm:s2], $0x3700  }
0x2c: {  	s11 =	rddreg [dreg:$0x6]  }
0x2d: {  	s8 =	simm.s32 @!p0 $0x1;
	s12 =	rddreg [dreg:$0x18]  }
0x2e: {  	[spmem:s12], [sflag:s6] =	dma.local @!p0 [hbm:s11], $0x800  }
0x2f: {  	_ =	swait.ge @!p0 [sflag:s8], $0x3700  }
0x30: {  	[sflag:s8] =	ssyncset.done @!p0 $0x0  }
0x31: {  	s10 =	sshll.u32 s10, $0x8;
	[sflag:s8] =	ssyncadd.s32 @!p0 $0xFFFFC900  }
0x32: {  	s25 =	ssub.s32 s9, s10;
	_ =	swait.ge @!p0 [sflag:s8], $0x800  }
0x33: {  	s14 =	sadd.s32 $0x19C800, s25;
	[sflag:s8] =	ssyncset.done @!p0 $0x0  }
0x34: {  	s9 =	sadd.s32 $0x1DC000, s25;
	s12 =	sshll.u32 s0, $0x6;
	[sflag:s8] =	ssyncadd.s32 @!p0 $0xFFFFF800  }
0x35: {  	s9 =	sshrl.u32 s9, $0x3;
	s10 =	sor.u32 $0x1C01, s12;
	[bflag:$0x0] =	sbarrier.arrive $0xFFFF  }
0x36: {  	[hbm:s3], [sflag:s10] =	dma.local [spmem:s9], $0x4000  }
0x37: {  	s15 =	sadd.s32 $0x15D000, s25;
	s11 =	sshrl.u32 s14, $0x3;
	s13 =	rddreg [dreg:$0x7]  }
0x38: {  	[hbm:s13], [sflag:s10] =	dma.local [spmem:s11], $0x4000  }
0x39: {  	s16 =	sadd.s32 $0x11D800, s25;
	s12 =	sshrl.u32 s15, $0x3;
	s13 =	rddreg [dreg:$0x8]  }
0x3a: {  	[hbm:s13], [sflag:s10] =	dma.local [spmem:s12], $0x4000  }
0x3b: {  	s17 =	sadd.s32 $0xDE000, s25;
	s13 =	sshrl.u32 s16, $0x3;
	s14 =	rddreg [dreg:$0x9]  }
0x3c: {  	[hbm:s14], [sflag:s10] =	dma.local [spmem:s13], $0x4000  }
0x3d: {  	s18 =	sadd.s32 $0x9E800, s25;
	s14 =	sshrl.u32 s17, $0x3;
	s15 =	rddreg [dreg:$0xa]  }
0x3e: {  	[hbm:s15], [sflag:s10] =	dma.local [spmem:s14], $0x4000  }
0x3f: {  	s19 =	sadd.s32 $0x5F000, s25;
	s15 =	sshrl.u32 s18, $0x3;
	s16 =	rddreg [dreg:$0xb]  }
0x40: {  	[hbm:s16], [sflag:s10] =	dma.local [spmem:s15], $0x4000  }
0x41: {  	s20 =	sadd.s32 $0x1F800, s25;
	s16 =	sshrl.u32 s19, $0x3;
	s17 =	rddreg [dreg:$0xc]  }
0x42: {  	[hbm:s17], [sflag:s10] =	dma.local [spmem:s16], $0x4000  }
0x43: {  	s21 =	sadd.s32 $0x1DB800, s25;
	s17 =	sshrl.u32 s20, $0x3;
	s18 =	rddreg [dreg:$0xd]  }
0x44: {  	[hbm:s18], [sflag:s10] =	dma.local [spmem:s17], $0x4000  }
0x45: {  	s22 =	sadd.s32 $0x19C000, s25;
	s18 =	sshrl.u32 s21, $0x3;
	s19 =	rddreg [dreg:$0xe]  }
0x46: {  	[hbm:s19], [sflag:s10] =	dma.local [spmem:s18], $0x4000  }
0x47: {  	s23 =	sadd.s32 $0x15C800, s25;
	s19 =	sshrl.u32 s22, $0x3;
	s20 =	rddreg [dreg:$0xf]  }
0x48: {  	[hbm:s20], [sflag:s10] =	dma.local [spmem:s19], $0x4000  }
0x49: {  	s24 =	sadd.s32 $0x11D000, s25;
	s20 =	sshrl.u32 s23, $0x3;
	s21 =	rddreg [dreg:$0x10]  }
0x4a: {  	[hbm:s21], [sflag:s10] =	dma.local [spmem:s20], $0x4000  }
0x4b: {  	s26 =	sadd.s32 $0xDD800, s25;
	s21 =	sshrl.u32 s24, $0x3;
	s22 =	rddreg [dreg:$0x11]  }
0x4c: {  	[hbm:s22], [sflag:s10] =	dma.local [spmem:s21], $0x4000  }
0x4d: {  	s29 =	sadd.s32 $0x9E000, s25;
	s22 =	sshrl.u32 s26, $0x3;
	s23 =	rddreg [dreg:$0x12]  }
0x4e: {  	[hbm:s23], [sflag:s10] =	dma.local [spmem:s22], $0x4000  }
0x4f: {  	s30 =	sadd.s32 $0x5E800, s25;
	s23 =	sshrl.u32 s29, $0x3;
	s24 =	rddreg [dreg:$0x13]  }
0x50: {  	[hbm:s24], [sflag:s10] =	dma.local [spmem:s23], $0x4000  }
0x51: {  	s25 =	sadd.s32 $0x1F000, s25;
	s24 =	sshrl.u32 s30, $0x3;
	s26 =	rddreg [dreg:$0x14]  }
0x52: {  	[hbm:s26], [sflag:s10] =	dma.local [spmem:s24], $0x4000  }
0x53: {  	s26 =	sshrl.u32 s25, $0x3;
	s25 =	simm.s32 $0x1;
	s29 =	rddreg [dreg:$0x15]  }
0x54: {  	[hbm:s29], [sflag:s10] =	dma.local [spmem:s26], $0x4000  }
0x55: {  	_ =	swait.ge [sflag:s25], $0x4000  }
0x56: {  	[sflag:s25] =	ssyncset.done $0x0  }
0x57: {  	[sflag:s25] =	ssyncadd.s32 $0xFFFFC000  }
0x58: {  	_ =	swait.ge [sflag:s25], $0x4000  }
0x59: {  	[sflag:s25] =	ssyncset.done $0x0  }
0x5a: {  	[sflag:s25] =	ssyncadd.s32 $0xFFFFC000  }
0x5b: {  	_ =	swait.ge [sflag:s25], $0x4000  }
0x5c: {  	[sflag:s25] =	ssyncset.done $0x0  }
0x5d: {  	[sflag:s25] =	ssyncadd.s32 $0xFFFFC000  }
0x5e: {  	_ =	swait.ge [sflag:s25], $0x4000  }
0x5f: {  	[sflag:s25] =	ssyncset.done $0x0  }
0x60: {  	[sflag:s25] =	ssyncadd.s32 $0xFFFFC000  }
0x61: {  	_ =	swait.ge [sflag:s25], $0x4000  }
0x62: {  	[sflag:s25] =	ssyncset.done $0x0  }
0x63: {  	[sflag:s25] =	ssyncadd.s32 $0xFFFFC000  }
0x64: {  	_ =	swait.ge [sflag:s25], $0x4000  }
0x65: {  	[sflag:s25] =	ssyncset.done $0x0  }
0x66: {  	[sflag:s25] =	ssyncadd.s32 $0xFFFFC000  }
0x67: {  	_ =	swait.ge [sflag:s25], $0x4000  }
0x68: {  	[sflag:s25] =	ssyncset.done $0x0  }
0x69: {  	[sflag:s25] =	ssyncadd.s32 $0xFFFFC000  }
0x6a: {  	_ =	swait.ge [sflag:s25], $0x4000  }
0x6b: {  	[sflag:s25] =	ssyncset.done $0x0  }
0x6c: {  	[sflag:s25] =	ssyncadd.s32 $0xFFFFC000  }
0x6d: {  	_ =	swait.ge [sflag:s25], $0x4000  }
0x6e: {  	[sflag:s25] =	ssyncset.done $0x0  }
0x6f: {  	[sflag:s25] =	ssyncadd.s32 $0xFFFFC000  }
0x70: {  	_ =	swait.ge [sflag:s25], $0x4000  }
0x71: {  	[sflag:s25] =	ssyncset.done $0x0  }
0x72: {  	[sflag:s25] =	ssyncadd.s32 $0xFFFFC000  }
0x73: {  	_ =	swait.ge [sflag:s25], $0x4000  }
0x74: {  	[sflag:s25] =	ssyncset.done $0x0  }
0x75: {  	[sflag:s25] =	ssyncadd.s32 $0xFFFFC000  }
0x76: {  	_ =	swait.ge [sflag:s25], $0x4000  }
0x77: {  	s28 =	ssub.s32 $0x2, s28;
	[sflag:s25] =	ssyncset.done $0x0  }
0x78: {  	s31 =	sshrl.u32 s28, $0x1;
	[sflag:s25] =	ssyncadd.s32 $0xFFFFC000  }
0x79: {  	s28 =	ssub.s32 s28, s31;
	_ =	swait.ge [sflag:s25], $0x4000  }
0x7a: {  	s28 =	smax.u32 s28, $0x1;
	[sflag:s25] =	ssyncset.done $0x0  }
0x7b: {  	s28 =	sadd.s32 $0xFFFFFFFF, s28;
	[sflag:s25] =	ssyncadd.s32 $0xFFFFC000  }
0x7c: {  	p1 =	sne.s32 s28, $0x0;
	_ =	swait.ge [sflag:s25], $0x4000  }
.Ltmp0:
0x7d: {  	[sflag:s25] =	ssyncset.done $0x0;
	(pc) =	sbr.rel @!p1 .LBB2_2-.Ltmp0, $4  }
0x7e: {  	[sflag:s25] =	ssyncadd.s32 $0xFFFFC000  }
0x7f: {  	_ =	swait.ge [sflag:s25], $0x4000  }
0x80: {  	[sflag:s25] =	ssyncset.done $0x0  }
0x81: {  	[sflag:s25] =	ssyncadd.s32 $0xFFFFC000  }
.LBB2_1:
0x82: {  	_ =	swait.ge [sflag:s25], $0x4000  }
0x83: {  	s29 =	rddreg [dreg:$0x16];
	[sflag:s25] =	ssyncset.done $0x0  }
0x84: {  	s30 =	rddreg [dreg:$0x4];
	[sflag:s25] =	ssyncadd.s32 $0xFFFFC000  }
0x85: {  	[spmem:s29], [sflag:s4] =	dma.local @p0 [hbm:s30], $0x900  }
0x86: {  	s29 =	rddreg [dreg:$0x5]  }
0x87: {  	s30 =	rddreg [dreg:$0x17]  }
0x88: {  	[spmem:s30], [sflag:s4] =	dma.local @p0 [hbm:s29], $0x3700  }
0x89: {  	_ =	swait.ge @p0 [sflag:s5], $0x900  }
0x8a: {  	[sflag:s5] =	ssyncset.done @p0 $0x0  }
0x8b: {  	[sflag:s5] =	ssyncadd.s32 @p0 $0xFFFFF700  }
0x8c: {  	_ =	swait.ge @p0 [sflag:s5], $0x3700  }
0x8d: {  	[sflag:s5] =	ssyncset.done @p0 $0x0  }
0x8e: {  	[sflag:s5] =	ssyncadd.s32 @p0 $0xFFFFC900  }
0x8f: {  	[spmem:s7], [sflag:s6] =	dma.local @!p0 [hbm:s2], $0x3700  }
0x90: {  	s29 =	rddreg [dreg:$0x6]  }
0x91: {  	s30 =	rddreg [dreg:$0x18]  }
0x92: {  	[spmem:s30], [sflag:s6] =	dma.local @!p0 [hbm:s29], $0x800  }
0x93: {  	_ =	swait.ge @!p0 [sflag:s8], $0x3700  }
0x94: {  	[sflag:s8] =	ssyncset.done @!p0 $0x0  }
0x95: {  	[sflag:s8] =	ssyncadd.s32 @!p0 $0xFFFFC900  }
0x96: {  	_ =	swait.ge @!p0 [sflag:s8], $0x800  }
0x97: {  	[sflag:s8] =	ssyncset.done @!p0 $0x0  }
0x98: {  	[sflag:s8] =	ssyncadd.s32 @!p0 $0xFFFFF800  }
0x99: {  	[bflag:$0x0] =	sbarrier.arrive $0xFFFF  }
0x9a: {  	[hbm:s3], [sflag:s10] =	dma.local [spmem:s9], $0x4000  }
0x9b: {  	s31 =	rddreg [dreg:$0x7]  }
0x9c: {  	[hbm:s31], [sflag:s10] =	dma.local [spmem:s11], $0x4000  }
0x9d: {  	s29 =	rddreg [dreg:$0x8]  }
0x9e: {  	[hbm:s29], [sflag:s10] =	dma.local [spmem:s12], $0x4000  }
0x9f: {  	s29 =	rddreg [dreg:$0x9]  }
0xa0: {  	[hbm:s29], [sflag:s10] =	dma.local [spmem:s13], $0x4000  }
0xa1: {  	s29 =	rddreg [dreg:$0xa]  }
0xa2: {  	[hbm:s29], [sflag:s10] =	dma.local [spmem:s14], $0x4000  }
0xa3: {  	s29 =	rddreg [dreg:$0xb]  }
0xa4: {  	[hbm:s29], [sflag:s10] =	dma.local [spmem:s15], $0x4000  }
0xa5: {  	s29 =	rddreg [dreg:$0xc]  }
0xa6: {  	[hbm:s29], [sflag:s10] =	dma.local [spmem:s16], $0x4000  }
0xa7: {  	s29 =	rddreg [dreg:$0xd]  }
0xa8: {  	[hbm:s29], [sflag:s10] =	dma.local [spmem:s17], $0x4000  }
0xa9: {  	s29 =	rddreg [dreg:$0xe]  }
0xaa: {  	[hbm:s29], [sflag:s10] =	dma.local [spmem:s18], $0x4000  }
0xab: {  	s29 =	rddreg [dreg:$0xf]  }
0xac: {  	[hbm:s29], [sflag:s10] =	dma.local [spmem:s19], $0x4000  }
0xad: {  	s29 =	rddreg [dreg:$0x10]  }
0xae: {  	[hbm:s29], [sflag:s10] =	dma.local [spmem:s20], $0x4000  }
0xaf: {  	s29 =	rddreg [dreg:$0x11]  }
0xb0: {  	[hbm:s29], [sflag:s10] =	dma.local [spmem:s21], $0x4000  }
0xb1: {  	s29 =	rddreg [dreg:$0x12]  }
0xb2: {  	[hbm:s29], [sflag:s10] =	dma.local [spmem:s22], $0x4000  }
0xb3: {  	s29 =	rddreg [dreg:$0x13]  }
0xb4: {  	[hbm:s29], [sflag:s10] =	dma.local [spmem:s23], $0x4000  }
0xb5: {  	s29 =	rddreg [dreg:$0x14]  }
0xb6: {  	[hbm:s29], [sflag:s10] =	dma.local [spmem:s24], $0x4000  }
0xb7: {  	s29 =	rddreg [dreg:$0x15]  }
0xb8: {  	[hbm:s29], [sflag:s10] =	dma.local [spmem:s26], $0x4000  }
0xb9: {  	_ =	swait.ge [sflag:s25], $0x4000  }
0xba: {  	[sflag:s25] =	ssyncset.done $0x0  }
0xbb: {  	[sflag:s25] =	ssyncadd.s32 $0xFFFFC000  }
0xbc: {  	_ =	swait.ge [sflag:s25], $0x4000  }
0xbd: {  	[sflag:s25] =	ssyncset.done $0x0  }
0xbe: {  	[sflag:s25] =	ssyncadd.s32 $0xFFFFC000  }
0xbf: {  	_ =	swait.ge [sflag:s25], $0x4000  }
0xc0: {  	[sflag:s25] =	ssyncset.done $0x0  }
0xc1: {  	[sflag:s25] =	ssyncadd.s32 $0xFFFFC000  }
0xc2: {  	_ =	swait.ge [sflag:s25], $0x4000  }
0xc3: {  	[sflag:s25] =	ssyncset.done $0x0  }
0xc4: {  	[sflag:s25] =	ssyncadd.s32 $0xFFFFC000  }
0xc5: {  	_ =	swait.ge [sflag:s25], $0x4000  }
0xc6: {  	[sflag:s25] =	ssyncset.done $0x0  }
0xc7: {  	[sflag:s25] =	ssyncadd.s32 $0xFFFFC000  }
0xc8: {  	_ =	swait.ge [sflag:s25], $0x4000  }
0xc9: {  	[sflag:s25] =	ssyncset.done $0x0  }
0xca: {  	[sflag:s25] =	ssyncadd.s32 $0xFFFFC000  }
0xcb: {  	_ =	swait.ge [sflag:s25], $0x4000  }
0xcc: {  	[sflag:s25] =	ssyncset.done $0x0  }
0xcd: {  	[sflag:s25] =	ssyncadd.s32 $0xFFFFC000  }
0xce: {  	_ =	swait.ge [sflag:s25], $0x4000  }
0xcf: {  	[sflag:s25] =	ssyncset.done $0x0  }
0xd0: {  	[sflag:s25] =	ssyncadd.s32 $0xFFFFC000  }
0xd1: {  	_ =	swait.ge [sflag:s25], $0x4000  }
0xd2: {  	[sflag:s25] =	ssyncset.done $0x0  }
0xd3: {  	[sflag:s25] =	ssyncadd.s32 $0xFFFFC000  }
0xd4: {  	_ =	swait.ge [sflag:s25], $0x4000  }
0xd5: {  	[sflag:s25] =	ssyncset.done $0x0  }
0xd6: {  	[sflag:s25] =	ssyncadd.s32 $0xFFFFC000  }
0xd7: {  	_ =	swait.ge [sflag:s25], $0x4000  }
0xd8: {  	[sflag:s25] =	ssyncset.done $0x0  }
0xd9: {  	[sflag:s25] =	ssyncadd.s32 $0xFFFFC000  }
0xda: {  	_ =	swait.ge [sflag:s25], $0x4000  }
0xdb: {  	[sflag:s25] =	ssyncset.done $0x0  }
0xdc: {  	[sflag:s25] =	ssyncadd.s32 $0xFFFFC000  }
0xdd: {  	_ =	swait.ge [sflag:s25], $0x4000  }
0xde: {  	[sflag:s25] =	ssyncset.done $0x0  }
0xdf: {  	s28 =	sadd.s32 $0xFFFFFFFF, s28;
	[sflag:s25] =	ssyncadd.s32 $0xFFFFC000  }
0xe0: {  	p1 =	sne.s32 s28, $0x0;
	_ =	swait.ge [sflag:s25], $0x4000  }
.Ltmp1:
0xe1: {  	[sflag:s25] =	ssyncset.done $0x0;
	(pc) =	sbr.rel @p1 .LBB2_1-.Ltmp1, $4  }
0xe2: {  	[sflag:s25] =	ssyncadd.s32 $0xFFFFC000  }
0xe3: {  	_ =	swait.ge [sflag:s25], $0x4000  }
0xe4: {  	[sflag:s25] =	ssyncset.done $0x0  }
0xe5: {  	[sflag:s25] =	ssyncadd.s32 $0xFFFFC000  }
.LBB2_2:
0xe6: {  	_ =	swait.ge [sflag:s25], $0x4000  }
0xe7: {  	[sflag:s25] =	ssyncset.done $0x0  }
0xe8: {  	[sflag:s25] =	ssyncadd.s32 $0xFFFFC000  }
0xe9: {  	_ =	sfence.sel $0x180000  }
0xea: {  	[bflag:$0x0] =	sbarrier.arrive $0xFFFF  }
0xeb: {  	p0 =	sne.s32 s0, $0x0;
	_ =	strace $0x90000047  }
0xec: {  	s0 =	sadd.s32 @!p0 $0x100000, s1;
	[bflag:$0x2] =	sbarrier.arrive $0xFFFF  }
0xed: {  	[sflag:s0] =	ssyncadd.tile.s32 @!p0 $0x1;
	_ =	shalt  }
.Lfunc_end2:
_tile_overlayer_lowered:
.L_overlay_start_2:
0xee: {  	(tag) =	ssettag $0x2  }
0xef: {  	s0 =	rddreg [dreg:$0x0];
	s2 =	stileid.u32  }
0xf0: {  	s1 =	rddreg [dreg:$0x1];
	p0 =	sne.s32 s2, $0x0  }
0xf1: {  	s3 =	rddreg [dreg:$0x2];
	[bflag:$0x3] =	sbarrier.arrive $0xFFFF;
	s2 =	simm.s32 @!p0 $0x1C02  }
0xf2: {  	[timem:s3], [sflag:s2] =	dma.local @!p0 [hbm:s0], s1  }
0xf3: {  	s0 =	simm.s32 @!p0 $0x2  }
0xf4: {  	_ =	swait.ge @!p0 [sflag:s0], s1  }
0xf5: {  	s1 =	ssub.s32 @!p0 $0x0, s1;
	[sflag:s0] =	ssyncset.done @!p0 $0x0  }
0xf6: {  	[sflag:s0] =	ssyncadd.s32 @!p0 s1  }
0xf7: {  	[bflag:$0x3] =	sbarrier.arrive $0xFFFF  }
0xf8: {  	_ =	shalt  }

</sc_bundles>
